<compile_context>
chip_gen: v7x
topology: tpu7x:2x2x1
jax: 0.10.2.dev20260603
libtpu: 0.0.44.dev20260713+nightly
codegen_flags: <defaults>
</compile_context>

<pallas_src>
import functools

import jax
import jax.numpy as jnp
from jax import lax
from jax.experimental import pallas as pl
from jax.experimental.pallas import tpu as pltpu
from jax.experimental.pallas import tpu_sc as plsc

BATCH = 16384
HIST = 200
DIM = 32
ROWS = 33
TAB2 = 1064


@functools.cache
def _build():
    info = plsc.get_sparse_core_info()
    nw = info.num_cores * info.num_subcores
    nbt = BATCH // 128
    bt_w = nbt // nw
    b_w = bt_w * 128
    npiece = HIST * (DIM // 8)

    mesh = plsc.VectorSubcoreMesh(core_axis_name="c", subcore_axis_name="s")

    @functools.partial(
        pl.kernel,
        mesh=mesh,
        compiler_params=pltpu.CompilerParams(
            use_tc_tiling_on_sc=False, needs_layout_passes=False),
        out_type=jax.ShapeDtypeStruct((HIST * (DIM // 8), nbt * 8 * 128),
                                      jnp.float32),
        scratch_types=[
            pltpu.VMEM((TAB2 + ROWS * DIM,), jnp.float32),
            pltpu.VMEM((HIST, b_w), jnp.int32),
            pltpu.VMEM((bt_w * 8 * 128,), jnp.float32),
            pltpu.VMEM((bt_w * 8 * 128,), jnp.float32),
            pltpu.SemaphoreType.DMA,
            pltpu.SemaphoreType.DMA,
        ],
    )
    def gather_kernel(idx_hbm, table_hbm, out_hbm, table_v,
                      idx_v, outv0, outv1, so0, so1):
        wid = lax.axis_index("s") * info.num_cores + lax.axis_index("c")
        bt0 = wid * bt_w
        out_bufs = (outv0, outv1)
        osems = (so0, so1)

        pltpu.sync_copy(table_hbm, table_v.at[pl.ds(0, ROWS * DIM)])
        pltpu.sync_copy(table_hbm, table_v.at[pl.ds(TAB2, ROWS * DIM)])
        pltpu.sync_copy(idx_hbm.at[:, pl.ds(bt0 * 128, b_w)], idx_v)

        iota16 = lax.iota(jnp.int32, 16)
        hi8 = (iota16 >= 8).astype(jnp.int32) * TAB2
        dvecs = [(jnp.bitwise_xor(iota16, t) & 7) for t in range(8)]
        gvecs = [dvecs[t] + hi8 for t in range(8)]
        svecs = [dvecs[t] * 128 + iota16 for t in range(8)]

        def out_dst(u):
            return out_hbm.at[u, pl.ds(bt0 * 1024, bt_w * 1024)]

        def compute(u, out_buf):
            h = u // (DIM // 8)
            dt8 = lax.rem(u, DIM // 8) * 8
            pvecs = [gvecs[t] + dt8 for t in range(8)]

            def grp(i, carry):
                for sub in (0, 1):
                    rg = i * 2 + sub
                    r = rg // 8
                    g = lax.rem(rg, 8)
                    idx16 = idx_v[h, pl.ds(rg * 16, 16)]
                    base = idx16 * DIM
                    obase = r * 1024 + g * 16
                    vals = [plsc.load_gather(table_v, [base + pvecs[t]])
                            for t in range(8)]
                    for t in range(8):
                        plsc.store_scatter(
                            out_buf, [svecs[t] + obase], vals[t])
                return carry
            lax.fori_loop(0, bt_w * 4, grp, 0)

        nb = 2

        def body(u, carry):
            for p in range(nb):
                @pl.when(lax.rem(u, nb) == p)
                def _():
                    @pl.when(u >= nb)
                    def _():
                        pltpu.make_async_copy(
                            out_bufs[p], out_dst(u - nb), osems[p]).wait()
                    compute(u, out_bufs[p])
                    pltpu.async_copy(out_bufs[p], out_dst(u), osems[p])
            return carry

        lax.fori_loop(0, npiece, body, 0)

        for k in range(nb):
            u = npiece - nb + k
            pltpu.make_async_copy(
                out_bufs[u % nb], out_dst(u), osems[u % nb]).wait()

    return gather_kernel


def kernel(type_indices, embedding_table):
    idx_t = jnp.transpose(type_indices.astype(jnp.int32))
    table = embedding_table.reshape(ROWS * DIM)
    p = _build()(idx_t, table)
    p = p.reshape(HIST, DIM // 8, BATCH // 128, 8, 128)
    return p.transpose(2, 4, 0, 1, 3).reshape(BATCH, HIST, DIM)

# --- scband reference (transcript-rebuilt; emitter-appended) ---
"""Pipeline reference for scband-neighbor-node-type-encoder-14989435863267 (READ-ONLY COPY).

The authoritative reference and input builder live on the scoring server;
editing this copy changes nothing except your own understanding.
"""

import jax, jax.numpy as jnp
import numpy as np

NUM_TYPES = 32            # max(node_type_map.values()) + 1
NUM_EMBEDDINGS = NUM_TYPES + 1  # module adds an extra row
EMBEDDING_DIM = 32
BATCH = 16384
HIST = 200


def setup_inputs(seed: int = 0) -> dict:
    key = jax.random.key(seed)
    k_idx, k_tab = jax.random.split(key)
    type_indices = jax.random.randint(k_idx, (BATCH, HIST), 0, NUM_EMBEDDINGS, dtype=jnp.int64)
    # nn.Embedding default init: N(0, 1)
    embedding_table = jax.random.normal(k_tab, (NUM_EMBEDDINGS, EMBEDDING_DIM), dtype=jnp.float32)
    return {"type_indices": type_indices, "embedding_table": embedding_table}


def reference(type_indices, embedding_table):
    # nn.Embedding forward == row gather from the table
    return jnp.take(embedding_table, type_indices, axis=0)

if __name__ == "__main__":
    import jax
    _d = setup_inputs()
    print(jax.jit(kernel)(*tuple(_d.values())))

</pallas_src>

<mosaic_0001>
#map = affine_map<(d0, d1) -> (0, 0)>
#map1 = affine_map<(d0, d1) -> (0)>
module attributes {stable_mosaic.version = 14 : i64} {
  func.func @gather_kernel(%arg0: i32, %arg1: i32, %arg2: memref<200x16384xi32, #tpu.memory_space<hbm>>, %arg3: memref<1056xf32, #tpu.memory_space<hbm>>, %arg4: memref<800x131072xf32, #tpu.memory_space<hbm>>, %arg5: memref<2120xf32, #tpu.memory_space<vmem>>, %arg6: memref<200x512xi32, #tpu.memory_space<vmem>>, %arg7: memref<4096xf32, #tpu.memory_space<vmem>>, %arg8: memref<4096xf32, #tpu.memory_space<vmem>>, %arg9: memref<!tpu.dma_semaphore, #tpu.memory_space<semaphore_mem>>, %arg10: memref<!tpu.dma_semaphore, #tpu.memory_space<semaphore_mem>>) attributes {dimension_semantics = [#tpu.dimension_semantics<core_parallel>, #tpu.dimension_semantics<subcore_parallel>], iteration_bounds = array<i64: 2, 16>, scalar_prefetch = 0 : i64, scratch_operands = 6 : i64, tpu.core_type = #tpu.core_type<sc_vector_subcore>, window_params = [{transform_indices = #map}, {transform_indices = #map1}, {transform_indices = #map}]} {
    %mul3A = arith.constant 2 : i32
    %mul3A_0 = arith.muli %arg1, %mul3A : i32
    %add3A = arith.addi %mul3A_0, %arg0 : i32
    %mul3A_1 = arith.constant 4 : i32
    %mul3A_2 = arith.muli %add3A, %mul3A_1 : i32
    "tpu.region"() ({
      %run_scoped3A = tpu.sem_alloc : memref<!tpu.dma_semaphore, #tpu.memory_space<semaphore_mem>>
      %dma_start3A = arith.constant 0 : i32
      %dma_start3A_114 = tpu.memref_slice %arg5[%dma_start3A] : memref<2120xf32, #tpu.memory_space<vmem>> -> memref<1056xf32, #tpu.memory_space<vmem>>
      %dma_start3A_115 = arith.constant 0 : i32
      %dma_start3A_116 = tpu.memref_slice %arg5[%dma_start3A_115] : memref<2120xf32, #tpu.memory_space<vmem>> -> memref<1056xf32, #tpu.memory_space<vmem>>
      tpu.enqueue_dma source(%arg3 : memref<1056xf32, #tpu.memory_space<hbm>>) target(%dma_start3A_116 : memref<1056xf32, #tpu.memory_space<vmem>>) target_semaphore(%run_scoped3A : memref<!tpu.dma_semaphore, #tpu.memory_space<semaphore_mem>>)
      %dma_wait3A_117 = arith.constant 0 : i32
      %dma_wait3A_118 = tpu.memref_slice %arg5[%dma_wait3A_117] : memref<2120xf32, #tpu.memory_space<vmem>> -> memref<1056xf32, #tpu.memory_space<vmem>>
      %dma_wait3A_119 = arith.constant 0 : i32
      %dma_wait3A_120 = tpu.memref_slice %arg5[%dma_wait3A_119] : memref<2120xf32, #tpu.memory_space<vmem>> -> memref<1056xf32, #tpu.memory_space<vmem>>
      tpu.wait_dma2 semaphore(%run_scoped3A : memref<!tpu.dma_semaphore, #tpu.memory_space<semaphore_mem>>) src(%arg3 : memref<1056xf32, #tpu.memory_space<hbm>>) dst(%dma_wait3A_120 : memref<1056xf32, #tpu.memory_space<vmem>>)
      tpu.yield
    }) : () -> ()
    "tpu.region"() ({
      %run_scoped3A = tpu.sem_alloc : memref<!tpu.dma_semaphore, #tpu.memory_space<semaphore_mem>>
      %dma_start3A = arith.constant 1064 : i32
      %dma_start3A_114 = tpu.memref_slice %arg5[%dma_start3A] : memref<2120xf32, #tpu.memory_space<vmem>> -> memref<1056xf32, #tpu.memory_space<vmem>>
      %dma_start3A_115 = arith.constant 1064 : i32
      %dma_start3A_116 = tpu.memref_slice %arg5[%dma_start3A_115] : memref<2120xf32, #tpu.memory_space<vmem>> -> memref<1056xf32, #tpu.memory_space<vmem>>
      tpu.enqueue_dma source(%arg3 : memref<1056xf32, #tpu.memory_space<hbm>>) target(%dma_start3A_116 : memref<1056xf32, #tpu.memory_space<vmem>>) target_semaphore(%run_scoped3A : memref<!tpu.dma_semaphore, #tpu.memory_space<semaphore_mem>>)
      %dma_wait3A_117 = arith.constant 1064 : i32
      %dma_wait3A_118 = tpu.memref_slice %arg5[%dma_wait3A_117] : memref<2120xf32, #tpu.memory_space<vmem>> -> memref<1056xf32, #tpu.memory_space<vmem>>
      %dma_wait3A_119 = arith.constant 1064 : i32
      %dma_wait3A_120 = tpu.memref_slice %arg5[%dma_wait3A_119] : memref<2120xf32, #tpu.memory_space<vmem>> -> memref<1056xf32, #tpu.memory_space<vmem>>
      tpu.wait_dma2 semaphore(%run_scoped3A : memref<!tpu.dma_semaphore, #tpu.memory_space<semaphore_mem>>) src(%arg3 : memref<1056xf32, #tpu.memory_space<hbm>>) dst(%dma_wait3A_120 : memref<1056xf32, #tpu.memory_space<vmem>>)
      tpu.yield
    }) : () -> ()
    %mul3A_3 = arith.constant 128 : i32
    %mul3A_4 = arith.muli %mul3A_2, %mul3A_3 : i32
    "tpu.region"() ({
      %run_scoped3A = tpu.sem_alloc : memref<!tpu.dma_semaphore, #tpu.memory_space<semaphore_mem>>
      %dma_start3A = arith.constant 0 : i32
      %dma_start3A_114 = tpu.memref_slice %arg2[%dma_start3A, %mul3A_4] : memref<200x16384xi32, #tpu.memory_space<hbm>> -> memref<200x512xi32, #tpu.memory_space<hbm>>
      %dma_start3A_115 = arith.constant 0 : i32
      %dma_start3A_116 = tpu.memref_slice %arg2[%dma_start3A_115, %mul3A_4] : memref<200x16384xi32, #tpu.memory_space<hbm>> -> memref<200x512xi32, #tpu.memory_space<hbm>>
      tpu.enqueue_dma source(%dma_start3A_116 : memref<200x512xi32, #tpu.memory_space<hbm>>) target(%arg6 : memref<200x512xi32, #tpu.memory_space<vmem>>) target_semaphore(%run_scoped3A : memref<!tpu.dma_semaphore, #tpu.memory_space<semaphore_mem>>)
      %dma_wait3A_117 = arith.constant 0 : i32
      %dma_wait3A_118 = tpu.memref_slice %arg2[%dma_wait3A_117, %mul3A_4] : memref<200x16384xi32, #tpu.memory_space<hbm>> -> memref<200x512xi32, #tpu.memory_space<hbm>>
      %dma_wait3A_119 = arith.constant 0 : i32
      %dma_wait3A_120 = tpu.memref_slice %arg2[%dma_wait3A_119, %mul3A_4] : memref<200x16384xi32, #tpu.memory_space<hbm>> -> memref<200x512xi32, #tpu.memory_space<hbm>>
      tpu.wait_dma2 semaphore(%run_scoped3A : memref<!tpu.dma_semaphore, #tpu.memory_space<semaphore_mem>>) src(%dma_wait3A_120 : memref<200x512xi32, #tpu.memory_space<hbm>>) dst(%arg6 : memref<200x512xi32, #tpu.memory_space<vmem>>)
      tpu.yield
    }) : () -> ()
    %iota3A = tpu.iota {dimensions = array<i32: 0>} : vector<16xi32>
    %ge3A = arith.constant 8 : i32
    %ge3A_5 = vector.broadcast %ge3A : i32 to vector<16xi32>
    %ge3A_6 = arith.cmpi sge, %iota3A, %ge3A_5 : vector<16xi32>
    %convert_element_type3A = arith.extui %ge3A_6 : vector<16xi1> to vector<16xi32>
    %mul3A_7 = arith.constant 1064 : i32
    %mul3A_8 = vector.broadcast %mul3A_7 : i32 to vector<16xi32>
    %mul3A_9 = arith.muli %convert_element_type3A, %mul3A_8 : vector<16xi32>
    %xor3A = arith.constant 0 : i32
    %xor3A_10 = vector.broadcast %xor3A : i32 to vector<16xi32>
    %xor3A_11 = arith.xori %iota3A, %xor3A_10 : vector<16xi32>
    %and3A = arith.constant 7 : i32
    %and3A_12 = vector.broadcast %and3A : i32 to vector<16xi32>
    %and3A_13 = arith.andi %xor3A_11, %and3A_12 : vector<16xi32>
    %xor3A_14 = arith.constant 1 : i32
    %xor3A_15 = vector.broadcast %xor3A_14 : i32 to vector<16xi32>
    %xor3A_16 = arith.xori %iota3A, %xor3A_15 : vector<16xi32>
    %and3A_17 = arith.constant 7 : i32
    %and3A_18 = vector.broadcast %and3A_17 : i32 to vector<16xi32>
    %and3A_19 = arith.andi %xor3A_16, %and3A_18 : vector<16xi32>
    %xor3A_20 = arith.constant 2 : i32
    %xor3A_21 = vector.broadcast %xor3A_20 : i32 to vector<16xi32>
    %xor3A_22 = arith.xori %iota3A, %xor3A_21 : vector<16xi32>
    %and3A_23 = arith.constant 7 : i32
    %and3A_24 = vector.broadcast %and3A_23 : i32 to vector<16xi32>
    %and3A_25 = arith.andi %xor3A_22, %and3A_24 : vector<16xi32>
    %xor3A_26 = arith.constant 3 : i32
    %xor3A_27 = vector.broadcast %xor3A_26 : i32 to vector<16xi32>
    %xor3A_28 = arith.xori %iota3A, %xor3A_27 : vector<16xi32>
    %and3A_29 = arith.constant 7 : i32
    %and3A_30 = vector.broadcast %and3A_29 : i32 to vector<16xi32>
    %and3A_31 = arith.andi %xor3A_28, %and3A_30 : vector<16xi32>
    %xor3A_32 = arith.constant 4 : i32
    %xor3A_33 = vector.broadcast %xor3A_32 : i32 to vector<16xi32>
    %xor3A_34 = arith.xori %iota3A, %xor3A_33 : vector<16xi32>
    %and3A_35 = arith.constant 7 : i32
    %and3A_36 = vector.broadcast %and3A_35 : i32 to vector<16xi32>
    %and3A_37 = arith.andi %xor3A_34, %and3A_36 : vector<16xi32>
    %xor3A_38 = arith.constant 5 : i32
    %xor3A_39 = vector.broadcast %xor3A_38 : i32 to vector<16xi32>
    %xor3A_40 = arith.xori %iota3A, %xor3A_39 : vector<16xi32>
    %and3A_41 = arith.constant 7 : i32
    %and3A_42 = vector.broadcast %and3A_41 : i32 to vector<16xi32>
    %and3A_43 = arith.andi %xor3A_40, %and3A_42 : vector<16xi32>
    %xor3A_44 = arith.constant 6 : i32
    %xor3A_45 = vector.broadcast %xor3A_44 : i32 to vector<16xi32>
    %xor3A_46 = arith.xori %iota3A, %xor3A_45 : vector<16xi32>
    %and3A_47 = arith.constant 7 : i32
    %and3A_48 = vector.broadcast %and3A_47 : i32 to vector<16xi32>
    %and3A_49 = arith.andi %xor3A_46, %and3A_48 : vector<16xi32>
    %xor3A_50 = arith.constant 7 : i32
    %xor3A_51 = vector.broadcast %xor3A_50 : i32 to vector<16xi32>
    %xor3A_52 = arith.xori %iota3A, %xor3A_51 : vector<16xi32>
    %and3A_53 = arith.constant 7 : i32
    %and3A_54 = vector.broadcast %and3A_53 : i32 to vector<16xi32>
    %and3A_55 = arith.andi %xor3A_52, %and3A_54 : vector<16xi32>
    %add3A_56 = arith.addi %and3A_13, %mul3A_9 : vector<16xi32>
    %add3A_57 = arith.addi %and3A_19, %mul3A_9 : vector<16xi32>
    %add3A_58 = arith.addi %and3A_25, %mul3A_9 : vector<16xi32>
    %add3A_59 = arith.addi %and3A_31, %mul3A_9 : vector<16xi32>
    %add3A_60 = arith.addi %and3A_37, %mul3A_9 : vector<16xi32>
    %add3A_61 = arith.addi %and3A_43, %mul3A_9 : vector<16xi32>
    %add3A_62 = arith.addi %and3A_49, %mul3A_9 : vector<16xi32>
    %add3A_63 = arith.addi %and3A_55, %mul3A_9 : vector<16xi32>
    %mul3A_64 = arith.constant 128 : i32
    %mul3A_65 = vector.broadcast %mul3A_64 : i32 to vector<16xi32>
    %mul3A_66 = arith.muli %and3A_13, %mul3A_65 : vector<16xi32>
    %add3A_67 = arith.addi %mul3A_66, %iota3A : vector<16xi32>
    %mul3A_68 = arith.constant 128 : i32
    %mul3A_69 = vector.broadcast %mul3A_68 : i32 to vector<16xi32>
    %mul3A_70 = arith.muli %and3A_19, %mul3A_69 : vector<16xi32>
    %add3A_71 = arith.addi %mul3A_70, %iota3A : vector<16xi32>
    %mul3A_72 = arith.constant 128 : i32
    %mul3A_73 = vector.broadcast %mul3A_72 : i32 to vector<16xi32>
    %mul3A_74 = arith.muli %and3A_25, %mul3A_73 : vector<16xi32>
    %add3A_75 = arith.addi %mul3A_74, %iota3A : vector<16xi32>
    %mul3A_76 = arith.constant 128 : i32
    %mul3A_77 = vector.broadcast %mul3A_76 : i32 to vector<16xi32>
    %mul3A_78 = arith.muli %and3A_31, %mul3A_77 : vector<16xi32>
    %add3A_79 = arith.addi %mul3A_78, %iota3A : vector<16xi32>
    %mul3A_80 = arith.constant 128 : i32
    %mul3A_81 = vector.broadcast %mul3A_80 : i32 to vector<16xi32>
    %mul3A_82 = arith.muli %and3A_37, %mul3A_81 : vector<16xi32>
    %add3A_83 = arith.addi %mul3A_82, %iota3A : vector<16xi32>
    %mul3A_84 = arith.constant 128 : i32
    %mul3A_85 = vector.broadcast %mul3A_84 : i32 to vector<16xi32>
    %mul3A_86 = arith.muli %and3A_43, %mul3A_85 : vector<16xi32>
    %add3A_87 = arith.addi %mul3A_86, %iota3A : vector<16xi32>
    %mul3A_88 = arith.constant 128 : i32
    %mul3A_89 = vector.broadcast %mul3A_88 : i32 to vector<16xi32>
    %mul3A_90 = arith.muli %and3A_49, %mul3A_89 : vector<16xi32>
    %add3A_91 = arith.addi %mul3A_90, %iota3A : vector<16xi32>
    %mul3A_92 = arith.constant 128 : i32
    %mul3A_93 = vector.broadcast %mul3A_92 : i32 to vector<16xi32>
    %mul3A_94 = arith.muli %and3A_55, %mul3A_93 : vector<16xi32>
    %add3A_95 = arith.addi %mul3A_94, %iota3A : vector<16xi32>
    %scan3A = arith.constant 0 : i32
    %scan3A_96 = arith.constant 0 : i32
    %scan3A_97 = arith.constant 800 : i32
    %scan3A_98 = arith.addi %scan3A_96, %scan3A_97 : i32
    %scan3A_99 = arith.constant 1 : i32
    scf.for %scan3A_114 = %scan3A_96 to %scan3A_98 step %scan3A_99  : i32 {
      %rem3A = arith.constant 2 : i32
      %rem3A_115 = arith.remsi %scan3A_114, %rem3A : i32
      %eq3A = arith.constant 0 : i32
      %eq3A_116 = arith.cmpi eq, %rem3A_115, %eq3A : i32
      %convert_element_type3A_117 = arith.extui %eq3A_116 : i1 to i32
      %cond3A = arith.constant 0 : i32
      %cond3A_118 = arith.cmpi ne, %convert_element_type3A_117, %cond3A : i32
      scf.if %cond3A_118 {
        %ge3A_126 = arith.constant 2 : i32
        %ge3A_127 = arith.cmpi sge, %scan3A_114, %ge3A_126 : i32
        %convert_element_type3A_128 = arith.extui %ge3A_127 : i1 to i32
        %cond3A_129 = arith.constant 0 : i32
        %cond3A_130 = arith.cmpi ne, %convert_element_type3A_128, %cond3A_129 : i32
        scf.if %cond3A_130 {
          %sub3A_180 = arith.constant 2 : i32
          %sub3A_181 = arith.subi %scan3A_114, %sub3A_180 : i32
          %mul3A_182 = arith.constant 1024 : i32
          %mul3A_183 = arith.muli %mul3A_2, %mul3A_182 : i32
          %dma_wait3A_184 = tpu.memref_slice %arg4[%sub3A_181, %mul3A_183] : memref<800x131072xf32, #tpu.memory_space<hbm>> -> memref<1x4096xf32, #tpu.memory_space<hbm>>
          %dma_wait3A_185 = tpu.memref_squeeze %dma_wait3A_184 : memref<1x4096xf32, #tpu.memory_space<hbm>> -> memref<4096xf32, #tpu.memory_space<hbm>>
          %dma_wait3A_186 = tpu.memref_slice %arg4[%sub3A_181, %mul3A_183] : memref<800x131072xf32, #tpu.memory_space<hbm>> -> memref<1x4096xf32, #tpu.memory_space<hbm>>
          %dma_wait3A_187 = tpu.memref_squeeze %dma_wait3A_186 : memref<1x4096xf32, #tpu.memory_space<hbm>> -> memref<4096xf32, #tpu.memory_space<hbm>>
          tpu.wait_dma2 semaphore(%arg9 : memref<!tpu.dma_semaphore, #tpu.memory_space<semaphore_mem>>) src(%arg7 : memref<4096xf32, #tpu.memory_space<vmem>>) dst(%dma_wait3A_187 : memref<4096xf32, #tpu.memory_space<hbm>>)
        } else {
        }
        %jit3A = arith.constant 4 : i32
        %div3A = arith.divsi %scan3A_114, %jit3A : i32
        %sign3A = arith.constant 0 : i32
        %sign3A_131 = arith.cmpi sgt, %scan3A_114, %sign3A : i32
        %sign3A_132 = arith.extui %sign3A_131 : i1 to i32
        %sign3A_133 = arith.constant 0 : i32
        %sign3A_134 = arith.cmpi slt, %scan3A_114, %sign3A_133 : i32
        %sign3A_135 = arith.extui %sign3A_134 : i1 to i32
        %sign3A_136 = arith.subi %sign3A_132, %sign3A_135 : i32
        %sign3A_137 = arith.constant 0 : i32
        %sign3A_138 = arith.cmpi sgt, %jit3A, %sign3A_137 : i32
        %sign3A_139 = arith.extui %sign3A_138 : i1 to i32
        %sign3A_140 = arith.constant 0 : i32
        %sign3A_141 = arith.cmpi slt, %jit3A, %sign3A_140 : i32
        %sign3A_142 = arith.extui %sign3A_141 : i1 to i32
        %sign3A_143 = arith.subi %sign3A_139, %sign3A_142 : i32
        %ne3A = arith.cmpi ne, %sign3A_136, %sign3A_143 : i32
        %rem3A_144 = arith.remsi %scan3A_114, %jit3A : i32
        %ne3A_145 = arith.constant 0 : i32
        %ne3A_146 = arith.cmpi ne, %rem3A_144, %ne3A_145 : i32
        %and3A_147 = arith.andi %ne3A, %ne3A_146 : i1
        %sub3A = arith.constant 1 : i32
        %sub3A_148 = arith.subi %div3A, %sub3A : i32
        %select_n3A = arith.select %and3A_147, %sub3A_148, %div3A : i32
        %rem3A_149 = arith.constant 4 : i32
        %rem3A_150 = arith.remsi %scan3A_114, %rem3A_149 : i32
        %mul3A_151 = arith.constant 8 : i32
        %mul3A_152 = arith.muli %rem3A_150, %mul3A_151 : i32
        %add3A_153 = vector.broadcast %mul3A_152 : i32 to vector<16xi32>
        %add3A_154 = arith.addi %add3A_56, %add3A_153 : vector<16xi32>
        %add3A_155 = vector.broadcast %mul3A_152 : i32 to vector<16xi32>
        %add3A_156 = arith.addi %add3A_57, %add3A_155 : vector<16xi32>
        %add3A_157 = vector.broadcast %mul3A_152 : i32 to vector<16xi32>
        %add3A_158 = arith.addi %add3A_58, %add3A_157 : vector<16xi32>
        %add3A_159 = vector.broadcast %mul3A_152 : i32 to vector<16xi32>
        %add3A_160 = arith.addi %add3A_59, %add3A_159 : vector<16xi32>
        %add3A_161 = vector.broadcast %mul3A_152 : i32 to vector<16xi32>
        %add3A_162 = arith.addi %add3A_60, %add3A_161 : vector<16xi32>
        %add3A_163 = vector.broadcast %mul3A_152 : i32 to vector<16xi32>
        %add3A_164 = arith.addi %add3A_61, %add3A_163 : vector<16xi32>
        %add3A_165 = vector.broadcast %mul3A_152 : i32 to vector<16xi32>
        %add3A_166 = arith.addi %add3A_62, %add3A_165 : vector<16xi32>
        %add3A_167 = vector.broadcast %mul3A_152 : i32 to vector<16xi32>
        %add3A_168 = arith.addi %add3A_63, %add3A_167 : vector<16xi32>
        %scan3A_169 = arith.constant 0 : i32
        %scan3A_170 = arith.constant 0 : i32
        %scan3A_171 = arith.constant 16 : i32
        %scan3A_172 = arith.addi %scan3A_170, %scan3A_171 : i32
        %scan3A_173 = arith.constant 1 : i32
        scf.for %scan3A_180 = %scan3A_170 to %scan3A_172 step %scan3A_173  : i32 {
          %mul3A_181 = arith.constant 2 : i32
          %mul3A_182 = arith.muli %scan3A_180, %mul3A_181 : i32
          %add3A_183 = arith.constant 0 : i32
          %add3A_184 = arith.addi %mul3A_182, %add3A_183 : i32
          %jit3A_185 = arith.constant 8 : i32
          %div3A_186 = arith.divsi %add3A_184, %jit3A_185 : i32
          %sign3A_187 = arith.constant 0 : i32
          %sign3A_188 = arith.cmpi sgt, %add3A_184, %sign3A_187 : i32
          %sign3A_189 = arith.extui %sign3A_188 : i1 to i32
          %sign3A_190 = arith.constant 0 : i32
          %sign3A_191 = arith.cmpi slt, %add3A_184, %sign3A_190 : i32
          %sign3A_192 = arith.extui %sign3A_191 : i1 to i32
          %sign3A_193 = arith.subi %sign3A_189, %sign3A_192 : i32
          %sign3A_194 = arith.constant 0 : i32
          %sign3A_195 = arith.cmpi sgt, %jit3A_185, %sign3A_194 : i32
          %sign3A_196 = arith.extui %sign3A_195 : i1 to i32
          %sign3A_197 = arith.constant 0 : i32
          %sign3A_198 = arith.cmpi slt, %jit3A_185, %sign3A_197 : i32
          %sign3A_199 = arith.extui %sign3A_198 : i1 to i32
          %sign3A_200 = arith.subi %sign3A_196, %sign3A_199 : i32
          %ne3A_201 = arith.cmpi ne, %sign3A_193, %sign3A_200 : i32
          %rem3A_202 = arith.remsi %add3A_184, %jit3A_185 : i32
          %ne3A_203 = arith.constant 0 : i32
          %ne3A_204 = arith.cmpi ne, %rem3A_202, %ne3A_203 : i32
          %and3A_205 = arith.andi %ne3A_201, %ne3A_204 : i1
          %sub3A_206 = arith.constant 1 : i32
          %sub3A_207 = arith.subi %div3A_186, %sub3A_206 : i32
          %select_n3A_208 = arith.select %and3A_205, %sub3A_207, %div3A_186 : i32
          %rem3A_209 = arith.constant 8 : i32
          %rem3A_210 = arith.remsi %add3A_184, %rem3A_209 : i32
          %mul3A_211 = arith.constant 16 : i32
          %mul3A_212 = arith.muli %add3A_184, %mul3A_211 : i32
          %get3A = arith.index_cast %select_n3A : i32 to index
          %get3A_213 = arith.index_cast %mul3A_212 : i32 to index
          %get3A_214 = tpu.vector_load %arg6[%get3A, %get3A_213] {strides = array<i32>} : memref<200x512xi32, #tpu.memory_space<vmem>>, vector<16xi32>,
          %mul3A_215 = arith.constant 32 : i32
          %mul3A_216 = vector.broadcast %mul3A_215 : i32 to vector<16xi32>
          %mul3A_217 = arith.muli %get3A_214, %mul3A_216 : vector<16xi32>
          %mul3A_218 = arith.constant 1024 : i32
          %mul3A_219 = arith.muli %select_n3A_208, %mul3A_218 : i32
          %mul3A_220 = arith.constant 16 : i32
          %mul3A_221 = arith.muli %rem3A_210, %mul3A_220 : i32
          %add3A_222 = arith.addi %mul3A_219, %mul3A_221 : i32
          %add3A_223 = arith.addi %mul3A_217, %add3A_154 : vector<16xi32>
          %gather3A = tpu.vector_load_idx %arg5[%add3A_223] : memref<2120xf32, #tpu.memory_space<vmem>>[vector<16xi32>], vector<16xf32>,
          %add3A_224 = arith.addi %mul3A_217, %add3A_156 : vector<16xi32>
          %gather3A_225 = tpu.vector_load_idx %arg5[%add3A_224] : memref<2120xf32, #tpu.memory_space<vmem>>[vector<16xi32>], vector<16xf32>,
          %add3A_226 = arith.addi %mul3A_217, %add3A_158 : vector<16xi32>
          %gather3A_227 = tpu.vector_load_idx %arg5[%add3A_226] : memref<2120xf32, #tpu.memory_space<vmem>>[vector<16xi32>], vector<16xf32>,
          %add3A_228 = arith.addi %mul3A_217, %add3A_160 : vector<16xi32>
          %gather3A_229 = tpu.vector_load_idx %arg5[%add3A_228] : memref<2120xf32, #tpu.memory_space<vmem>>[vector<16xi32>], vector<16xf32>,
          %add3A_230 = arith.addi %mul3A_217, %add3A_162 : vector<16xi32>
          %gather3A_231 = tpu.vector_load_idx %arg5[%add3A_230] : memref<2120xf32, #tpu.memory_space<vmem>>[vector<16xi32>], vector<16xf32>,
          %add3A_232 = arith.addi %mul3A_217, %add3A_164 : vector<16xi32>
          %gather3A_233 = tpu.vector_load_idx %arg5[%add3A_232] : memref<2120xf32, #tpu.memory_space<vmem>>[vector<16xi32>], vector<16xf32>,
          %add3A_234 = arith.addi %mul3A_217, %add3A_166 : vector<16xi32>
          %gather3A_235 = tpu.vector_load_idx %arg5[%add3A_234] : memref<2120xf32, #tpu.memory_space<vmem>>[vector<16xi32>], vector<16xf32>,
          %add3A_236 = arith.addi %mul3A_217, %add3A_168 : vector<16xi32>
          %gather3A_237 = tpu.vector_load_idx %arg5[%add3A_236] : memref<2120xf32, #tpu.memory_space<vmem>>[vector<16xi32>], vector<16xf32>,
          %add3A_238 = vector.broadcast %add3A_222 : i32 to vector<16xi32>
          %add3A_239 = arith.addi %add3A_67, %add3A_238 : vector<16xi32>
          tpu.vector_store_idx %arg7[%add3A_239], %gather3A : memref<4096xf32, #tpu.memory_space<vmem>>[vector<16xi32>], vector<16xf32>,
          %add3A_240 = vector.broadcast %add3A_222 : i32 to vector<16xi32>
          %add3A_241 = arith.addi %add3A_71, %add3A_240 : vector<16xi32>
          tpu.vector_store_idx %arg7[%add3A_241], %gather3A_225 : memref<4096xf32, #tpu.memory_space<vmem>>[vector<16xi32>], vector<16xf32>,
          %add3A_242 = vector.broadcast %add3A_222 : i32 to vector<16xi32>
          %add3A_243 = arith.addi %add3A_75, %add3A_242 : vector<16xi32>
          tpu.vector_store_idx %arg7[%add3A_243], %gather3A_227 : memref<4096xf32, #tpu.memory_space<vmem>>[vector<16xi32>], vector<16xf32>,
          %add3A_244 = vector.broadcast %add3A_222 : i32 to vector<16xi32>
          %add3A_245 = arith.addi %add3A_79, %add3A_244 : vector<16xi32>
          tpu.vector_store_idx %arg7[%add3A_245], %gather3A_229 : memref<4096xf32, #tpu.memory_space<vmem>>[vector<16xi32>], vector<16xf32>,
          %add3A_246 = vector.broadcast %add3A_222 : i32 to vector<16xi32>
          %add3A_247 = arith.addi %add3A_83, %add3A_246 : vector<16xi32>
          tpu.vector_store_idx %arg7[%add3A_247], %gather3A_231 : memref<4096xf32, #tpu.memory_space<vmem>>[vector<16xi32>], vector<16xf32>,
          %add3A_248 = vector.broadcast %add3A_222 : i32 to vector<16xi32>
          %add3A_249 = arith.addi %add3A_87, %add3A_248 : vector<16xi32>
          tpu.vector_store_idx %arg7[%add3A_249], %gather3A_233 : memref<4096xf32, #tpu.memory_space<vmem>>[vector<16xi32>], vector<16xf32>,
          %add3A_250 = vector.broadcast %add3A_222 : i32 to vector<16xi32>
          %add3A_251 = arith.addi %add3A_91, %add3A_250 : vector<16xi32>
          tpu.vector_store_idx %arg7[%add3A_251], %gather3A_235 : memref<4096xf32, #tpu.memory_space<vmem>>[vector<16xi32>], vector<16xf32>,
          %add3A_252 = vector.broadcast %add3A_222 : i32 to vector<16xi32>
          %add3A_253 = arith.addi %add3A_95, %add3A_252 : vector<16xi32>
          tpu.vector_store_idx %arg7[%add3A_253], %gather3A_237 : memref<4096xf32, #tpu.memory_space<vmem>>[vector<16xi32>], vector<16xf32>,
          %mul3A_254 = arith.constant 2 : i32
          %mul3A_255 = arith.muli %scan3A_180, %mul3A_254 : i32
          %add3A_256 = arith.constant 1 : i32
          %add3A_257 = arith.addi %mul3A_255, %add3A_256 : i32
          %jit3A_258 = arith.constant 8 : i32
          %div3A_259 = arith.divsi %add3A_257, %jit3A_258 : i32
          %sign3A_260 = arith.constant 0 : i32
          %sign3A_261 = arith.cmpi sgt, %add3A_257, %sign3A_260 : i32
          %sign3A_262 = arith.extui %sign3A_261 : i1 to i32
          %sign3A_263 = arith.constant 0 : i32
          %sign3A_264 = arith.cmpi slt, %add3A_257, %sign3A_263 : i32
          %sign3A_265 = arith.extui %sign3A_264 : i1 to i32
          %sign3A_266 = arith.subi %sign3A_262, %sign3A_265 : i32
          %sign3A_267 = arith.constant 0 : i32
          %sign3A_268 = arith.cmpi sgt, %jit3A_258, %sign3A_267 : i32
          %sign3A_269 = arith.extui %sign3A_268 : i1 to i32
          %sign3A_270 = arith.constant 0 : i32
          %sign3A_271 = arith.cmpi slt, %jit3A_258, %sign3A_270 : i32
          %sign3A_272 = arith.extui %sign3A_271 : i1 to i32
          %sign3A_273 = arith.subi %sign3A_269, %sign3A_272 : i32
          %ne3A_274 = arith.cmpi ne, %sign3A_266, %sign3A_273 : i32
          %rem3A_275 = arith.remsi %add3A_257, %jit3A_258 : i32
          %ne3A_276 = arith.constant 0 : i32
          %ne3A_277 = arith.cmpi ne, %rem3A_275, %ne3A_276 : i32
          %and3A_278 = arith.andi %ne3A_274, %ne3A_277 : i1
          %sub3A_279 = arith.constant 1 : i32
          %sub3A_280 = arith.subi %div3A_259, %sub3A_279 : i32
          %select_n3A_281 = arith.select %and3A_278, %sub3A_280, %div3A_259 : i32
          %rem3A_282 = arith.constant 8 : i32
          %rem3A_283 = arith.remsi %add3A_257, %rem3A_282 : i32
          %mul3A_284 = arith.constant 16 : i32
          %mul3A_285 = arith.muli %add3A_257, %mul3A_284 : i32
          %get3A_286 = arith.index_cast %select_n3A : i32 to index
          %get3A_287 = arith.index_cast %mul3A_285 : i32 to index
          %get3A_288 = tpu.vector_load %arg6[%get3A_286, %get3A_287] {strides = array<i32>} : memref<200x512xi32, #tpu.memory_space<vmem>>, vector<16xi32>,
          %mul3A_289 = arith.constant 32 : i32
          %mul3A_290 = vector.broadcast %mul3A_289 : i32 to vector<16xi32>
          %mul3A_291 = arith.muli %get3A_288, %mul3A_290 : vector<16xi32>
          %mul3A_292 = arith.constant 1024 : i32
          %mul3A_293 = arith.muli %select_n3A_281, %mul3A_292 : i32
          %mul3A_294 = arith.constant 16 : i32
          %mul3A_295 = arith.muli %rem3A_283, %mul3A_294 : i32
          %add3A_296 = arith.addi %mul3A_293, %mul3A_295 : i32
          %add3A_297 = arith.addi %mul3A_291, %add3A_154 : vector<16xi32>
          %gather3A_298 = tpu.vector_load_idx %arg5[%add3A_297] : memref<2120xf32, #tpu.memory_space<vmem>>[vector<16xi32>], vector<16xf32>,
          %add3A_299 = arith.addi %mul3A_291, %add3A_156 : vector<16xi32>
          %gather3A_300 = tpu.vector_load_idx %arg5[%add3A_299] : memref<2120xf32, #tpu.memory_space<vmem>>[vector<16xi32>], vector<16xf32>,
          %add3A_301 = arith.addi %mul3A_291, %add3A_158 : vector<16xi32>
          %gather3A_302 = tpu.vector_load_idx %arg5[%add3A_301] : memref<2120xf32, #tpu.memory_space<vmem>>[vector<16xi32>], vector<16xf32>,
          %add3A_303 = arith.addi %mul3A_291, %add3A_160 : vector<16xi32>
          %gather3A_304 = tpu.vector_load_idx %arg5[%add3A_303] : memref<2120xf32, #tpu.memory_space<vmem>>[vector<16xi32>], vector<16xf32>,
          %add3A_305 = arith.addi %mul3A_291, %add3A_162 : vector<16xi32>
          %gather3A_306 = tpu.vector_load_idx %arg5[%add3A_305] : memref<2120xf32, #tpu.memory_space<vmem>>[vector<16xi32>], vector<16xf32>,
          %add3A_307 = arith.addi %mul3A_291, %add3A_164 : vector<16xi32>
          %gather3A_308 = tpu.vector_load_idx %arg5[%add3A_307] : memref<2120xf32, #tpu.memory_space<vmem>>[vector<16xi32>], vector<16xf32>,
          %add3A_309 = arith.addi %mul3A_291, %add3A_166 : vector<16xi32>
          %gather3A_310 = tpu.vector_load_idx %arg5[%add3A_309] : memref<2120xf32, #tpu.memory_space<vmem>>[vector<16xi32>], vector<16xf32>,
          %add3A_311 = arith.addi %mul3A_291, %add3A_168 : vector<16xi32>
          %gather3A_312 = tpu.vector_load_idx %arg5[%add3A_311] : memref<2120xf32, #tpu.memory_space<vmem>>[vector<16xi32>], vector<16xf32>,
          %add3A_313 = vector.broadcast %add3A_296 : i32 to vector<16xi32>
          %add3A_314 = arith.addi %add3A_67, %add3A_313 : vector<16xi32>
          tpu.vector_store_idx %arg7[%add3A_314], %gather3A_298 : memref<4096xf32, #tpu.memory_space<vmem>>[vector<16xi32>], vector<16xf32>,
          %add3A_315 = vector.broadcast %add3A_296 : i32 to vector<16xi32>
          %add3A_316 = arith.addi %add3A_71, %add3A_315 : vector<16xi32>
          tpu.vector_store_idx %arg7[%add3A_316], %gather3A_300 : memref<4096xf32, #tpu.memory_space<vmem>>[vector<16xi32>], vector<16xf32>,
          %add3A_317 = vector.broadcast %add3A_296 : i32 to vector<16xi32>
          %add3A_318 = arith.addi %add3A_75, %add3A_317 : vector<16xi32>
          tpu.vector_store_idx %arg7[%add3A_318], %gather3A_302 : memref<4096xf32, #tpu.memory_space<vmem>>[vector<16xi32>], vector<16xf32>,
          %add3A_319 = vector.broadcast %add3A_296 : i32 to vector<16xi32>
          %add3A_320 = arith.addi %add3A_79, %add3A_319 : vector<16xi32>
          tpu.vector_store_idx %arg7[%add3A_320], %gather3A_304 : memref<4096xf32, #tpu.memory_space<vmem>>[vector<16xi32>], vector<16xf32>,
          %add3A_321 = vector.broadcast %add3A_296 : i32 to vector<16xi32>
          %add3A_322 = arith.addi %add3A_83, %add3A_321 : vector<16xi32>
          tpu.vector_store_idx %arg7[%add3A_322], %gather3A_306 : memref<4096xf32, #tpu.memory_space<vmem>>[vector<16xi32>], vector<16xf32>,
          %add3A_323 = vector.broadcast %add3A_296 : i32 to vector<16xi32>
          %add3A_324 = arith.addi %add3A_87, %add3A_323 : vector<16xi32>
          tpu.vector_store_idx %arg7[%add3A_324], %gather3A_308 : memref<4096xf32, #tpu.memory_space<vmem>>[vector<16xi32>], vector<16xf32>,
          %add3A_325 = vector.broadcast %add3A_296 : i32 to vector<16xi32>
          %add3A_326 = arith.addi %add3A_91, %add3A_325 : vector<16xi32>
          tpu.vector_store_idx %arg7[%add3A_326], %gather3A_310 : memref<4096xf32, #tpu.memory_space<vmem>>[vector<16xi32>], vector<16xf32>,
          %add3A_327 = vector.broadcast %add3A_296 : i32 to vector<16xi32>
          %add3A_328 = arith.addi %add3A_95, %add3A_327 : vector<16xi32>
          tpu.vector_store_idx %arg7[%add3A_328], %gather3A_312 : memref<4096xf32, #tpu.memory_space<vmem>>[vector<16xi32>], vector<16xf32>,
        }
        %scan3A_174 = arith.constant 16 : i32
        %mul3A_175 = arith.constant 1024 : i32
        %mul3A_176 = arith.muli %mul3A_2, %mul3A_175 : i32
        %dma_start3A = tpu.memref_slice %arg4[%scan3A_114, %mul3A_176] : memref<800x131072xf32, #tpu.memory_space<hbm>> -> memref<1x4096xf32, #tpu.memory_space<hbm>>
        %dma_start3A_177 = tpu.memref_squeeze %dma_start3A : memref<1x4096xf32, #tpu.memory_space<hbm>> -> memref<4096xf32, #tpu.memory_space<hbm>>
        %dma_start3A_178 = tpu.memref_slice %arg4[%scan3A_114, %mul3A_176] : memref<800x131072xf32, #tpu.memory_space<hbm>> -> memref<1x4096xf32, #tpu.memory_space<hbm>>
        %dma_start3A_179 = tpu.memref_squeeze %dma_start3A_178 : memref<1x4096xf32, #tpu.memory_space<hbm>> -> memref<4096xf32, #tpu.memory_space<hbm>>
        tpu.enqueue_dma source(%arg7 : memref<4096xf32, #tpu.memory_space<vmem>>) target(%dma_start3A_179 : memref<4096xf32, #tpu.memory_space<hbm>>) target_semaphore(%arg9 : memref<!tpu.dma_semaphore, #tpu.memory_space<semaphore_mem>>)
      } else {
      }
      %rem3A_119 = arith.constant 2 : i32
      %rem3A_120 = arith.remsi %scan3A_114, %rem3A_119 : i32
      %eq3A_121 = arith.constant 1 : i32
      %eq3A_122 = arith.cmpi eq, %rem3A_120, %eq3A_121 : i32
      %convert_element_type3A_123 = arith.extui %eq3A_122 : i1 to i32
      %cond3A_124 = arith.constant 0 : i32
      %cond3A_125 = arith.cmpi ne, %convert_element_type3A_123, %cond3A_124 : i32
      scf.if %cond3A_125 {
        %ge3A_126 = arith.constant 2 : i32
        %ge3A_127 = arith.cmpi sge, %scan3A_114, %ge3A_126 : i32
        %convert_element_type3A_128 = arith.extui %ge3A_127 : i1 to i32
        %cond3A_129 = arith.constant 0 : i32
        %cond3A_130 = arith.cmpi ne, %convert_element_type3A_128, %cond3A_129 : i32
        scf.if %cond3A_130 {
          %sub3A_180 = arith.constant 2 : i32
          %sub3A_181 = arith.subi %scan3A_114, %sub3A_180 : i32
          %mul3A_182 = arith.constant 1024 : i32
          %mul3A_183 = arith.muli %mul3A_2, %mul3A_182 : i32
          %dma_wait3A_184 = tpu.memref_slice %arg4[%sub3A_181, %mul3A_183] : memref<800x131072xf32, #tpu.memory_space<hbm>> -> memref<1x4096xf32, #tpu.memory_space<hbm>>
          %dma_wait3A_185 = tpu.memref_squeeze %dma_wait3A_184 : memref<1x4096xf32, #tpu.memory_space<hbm>> -> memref<4096xf32, #tpu.memory_space<hbm>>
          %dma_wait3A_186 = tpu.memref_slice %arg4[%sub3A_181, %mul3A_183] : memref<800x131072xf32, #tpu.memory_space<hbm>> -> memref<1x4096xf32, #tpu.memory_space<hbm>>
          %dma_wait3A_187 = tpu.memref_squeeze %dma_wait3A_186 : memref<1x4096xf32, #tpu.memory_space<hbm>> -> memref<4096xf32, #tpu.memory_space<hbm>>
          tpu.wait_dma2 semaphore(%arg10 : memref<!tpu.dma_semaphore, #tpu.memory_space<semaphore_mem>>) src(%arg8 : memref<4096xf32, #tpu.memory_space<vmem>>) dst(%dma_wait3A_187 : memref<4096xf32, #tpu.memory_space<hbm>>)
        } else {
        }
        %jit3A = arith.constant 4 : i32
        %div3A = arith.divsi %scan3A_114, %jit3A : i32
        %sign3A = arith.constant 0 : i32
        %sign3A_131 = arith.cmpi sgt, %scan3A_114, %sign3A : i32
        %sign3A_132 = arith.extui %sign3A_131 : i1 to i32
        %sign3A_133 = arith.constant 0 : i32
        %sign3A_134 = arith.cmpi slt, %scan3A_114, %sign3A_133 : i32
        %sign3A_135 = arith.extui %sign3A_134 : i1 to i32
        %sign3A_136 = arith.subi %sign3A_132, %sign3A_135 : i32
        %sign3A_137 = arith.constant 0 : i32
        %sign3A_138 = arith.cmpi sgt, %jit3A, %sign3A_137 : i32
        %sign3A_139 = arith.extui %sign3A_138 : i1 to i32
        %sign3A_140 = arith.constant 0 : i32
        %sign3A_141 = arith.cmpi slt, %jit3A, %sign3A_140 : i32
        %sign3A_142 = arith.extui %sign3A_141 : i1 to i32
        %sign3A_143 = arith.subi %sign3A_139, %sign3A_142 : i32
        %ne3A = arith.cmpi ne, %sign3A_136, %sign3A_143 : i32
        %rem3A_144 = arith.remsi %scan3A_114, %jit3A : i32
        %ne3A_145 = arith.constant 0 : i32
        %ne3A_146 = arith.cmpi ne, %rem3A_144, %ne3A_145 : i32
        %and3A_147 = arith.andi %ne3A, %ne3A_146 : i1
        %sub3A = arith.constant 1 : i32
        %sub3A_148 = arith.subi %div3A, %sub3A : i32
        %select_n3A = arith.select %and3A_147, %sub3A_148, %div3A : i32
        %rem3A_149 = arith.constant 4 : i32
        %rem3A_150 = arith.remsi %scan3A_114, %rem3A_149 : i32
        %mul3A_151 = arith.constant 8 : i32
        %mul3A_152 = arith.muli %rem3A_150, %mul3A_151 : i32
        %add3A_153 = vector.broadcast %mul3A_152 : i32 to vector<16xi32>
        %add3A_154 = arith.addi %add3A_56, %add3A_153 : vector<16xi32>
        %add3A_155 = vector.broadcast %mul3A_152 : i32 to vector<16xi32>
        %add3A_156 = arith.addi %add3A_57, %add3A_155 : vector<16xi32>
        %add3A_157 = vector.broadcast %mul3A_152 : i32 to vector<16xi32>
        %add3A_158 = arith.addi %add3A_58, %add3A_157 : vector<16xi32>
        %add3A_159 = vector.broadcast %mul3A_152 : i32 to vector<16xi32>
        %add3A_160 = arith.addi %add3A_59, %add3A_159 : vector<16xi32>
        %add3A_161 = vector.broadcast %mul3A_152 : i32 to vector<16xi32>
        %add3A_162 = arith.addi %add3A_60, %add3A_161 : vector<16xi32>
        %add3A_163 = vector.broadcast %mul3A_152 : i32 to vector<16xi32>
        %add3A_164 = arith.addi %add3A_61, %add3A_163 : vector<16xi32>
        %add3A_165 = vector.broadcast %mul3A_152 : i32 to vector<16xi32>
        %add3A_166 = arith.addi %add3A_62, %add3A_165 : vector<16xi32>
        %add3A_167 = vector.broadcast %mul3A_152 : i32 to vector<16xi32>
        %add3A_168 = arith.addi %add3A_63, %add3A_167 : vector<16xi32>
        %scan3A_169 = arith.constant 0 : i32
        %scan3A_170 = arith.constant 0 : i32
        %scan3A_171 = arith.constant 16 : i32
        %scan3A_172 = arith.addi %scan3A_170, %scan3A_171 : i32
        %scan3A_173 = arith.constant 1 : i32
        scf.for %scan3A_180 = %scan3A_170 to %scan3A_172 step %scan3A_173  : i32 {
          %mul3A_181 = arith.constant 2 : i32
          %mul3A_182 = arith.muli %scan3A_180, %mul3A_181 : i32
          %add3A_183 = arith.constant 0 : i32
          %add3A_184 = arith.addi %mul3A_182, %add3A_183 : i32
          %jit3A_185 = arith.constant 8 : i32
          %div3A_186 = arith.divsi %add3A_184, %jit3A_185 : i32
          %sign3A_187 = arith.constant 0 : i32
          %sign3A_188 = arith.cmpi sgt, %add3A_184, %sign3A_187 : i32
          %sign3A_189 = arith.extui %sign3A_188 : i1 to i32
          %sign3A_190 = arith.constant 0 : i32
          %sign3A_191 = arith.cmpi slt, %add3A_184, %sign3A_190 : i32
          %sign3A_192 = arith.extui %sign3A_191 : i1 to i32
          %sign3A_193 = arith.subi %sign3A_189, %sign3A_192 : i32
          %sign3A_194 = arith.constant 0 : i32
          %sign3A_195 = arith.cmpi sgt, %jit3A_185, %sign3A_194 : i32
          %sign3A_196 = arith.extui %sign3A_195 : i1 to i32
          %sign3A_197 = arith.constant 0 : i32
          %sign3A_198 = arith.cmpi slt, %jit3A_185, %sign3A_197 : i32
          %sign3A_199 = arith.extui %sign3A_198 : i1 to i32
          %sign3A_200 = arith.subi %sign3A_196, %sign3A_199 : i32
          %ne3A_201 = arith.cmpi ne, %sign3A_193, %sign3A_200 : i32
          %rem3A_202 = arith.remsi %add3A_184, %jit3A_185 : i32
          %ne3A_203 = arith.constant 0 : i32
          %ne3A_204 = arith.cmpi ne, %rem3A_202, %ne3A_203 : i32
          %and3A_205 = arith.andi %ne3A_201, %ne3A_204 : i1
          %sub3A_206 = arith.constant 1 : i32
          %sub3A_207 = arith.subi %div3A_186, %sub3A_206 : i32
          %select_n3A_208 = arith.select %and3A_205, %sub3A_207, %div3A_186 : i32
          %rem3A_209 = arith.constant 8 : i32
          %rem3A_210 = arith.remsi %add3A_184, %rem3A_209 : i32
          %mul3A_211 = arith.constant 16 : i32
          %mul3A_212 = arith.muli %add3A_184, %mul3A_211 : i32
          %get3A = arith.index_cast %select_n3A : i32 to index
          %get3A_213 = arith.index_cast %mul3A_212 : i32 to index
          %get3A_214 = tpu.vector_load %arg6[%get3A, %get3A_213] {strides = array<i32>} : memref<200x512xi32, #tpu.memory_space<vmem>>, vector<16xi32>,
          %mul3A_215 = arith.constant 32 : i32
          %mul3A_216 = vector.broadcast %mul3A_215 : i32 to vector<16xi32>
          %mul3A_217 = arith.muli %get3A_214, %mul3A_216 : vector<16xi32>
          %mul3A_218 = arith.constant 1024 : i32
          %mul3A_219 = arith.muli %select_n3A_208, %mul3A_218 : i32
          %mul3A_220 = arith.constant 16 : i32
          %mul3A_221 = arith.muli %rem3A_210, %mul3A_220 : i32
          %add3A_222 = arith.addi %mul3A_219, %mul3A_221 : i32
          %add3A_223 = arith.addi %mul3A_217, %add3A_154 : vector<16xi32>
          %gather3A = tpu.vector_load_idx %arg5[%add3A_223] : memref<2120xf32, #tpu.memory_space<vmem>>[vector<16xi32>], vector<16xf32>,
          %add3A_224 = arith.addi %mul3A_217, %add3A_156 : vector<16xi32>
          %gather3A_225 = tpu.vector_load_idx %arg5[%add3A_224] : memref<2120xf32, #tpu.memory_space<vmem>>[vector<16xi32>], vector<16xf32>,
          %add3A_226 = arith.addi %mul3A_217, %add3A_158 : vector<16xi32>
          %gather3A_227 = tpu.vector_load_idx %arg5[%add3A_226] : memref<2120xf32, #tpu.memory_space<vmem>>[vector<16xi32>], vector<16xf32>,
          %add3A_228 = arith.addi %mul3A_217, %add3A_160 : vector<16xi32>
          %gather3A_229 = tpu.vector_load_idx %arg5[%add3A_228] : memref<2120xf32, #tpu.memory_space<vmem>>[vector<16xi32>], vector<16xf32>,
          %add3A_230 = arith.addi %mul3A_217, %add3A_162 : vector<16xi32>
          %gather3A_231 = tpu.vector_load_idx %arg5[%add3A_230] : memref<2120xf32, #tpu.memory_space<vmem>>[vector<16xi32>], vector<16xf32>,
          %add3A_232 = arith.addi %mul3A_217, %add3A_164 : vector<16xi32>
          %gather3A_233 = tpu.vector_load_idx %arg5[%add3A_232] : memref<2120xf32, #tpu.memory_space<vmem>>[vector<16xi32>], vector<16xf32>,
          %add3A_234 = arith.addi %mul3A_217, %add3A_166 : vector<16xi32>
          %gather3A_235 = tpu.vector_load_idx %arg5[%add3A_234] : memref<2120xf32, #tpu.memory_space<vmem>>[vector<16xi32>], vector<16xf32>,
          %add3A_236 = arith.addi %mul3A_217, %add3A_168 : vector<16xi32>
          %gather3A_237 = tpu.vector_load_idx %arg5[%add3A_236] : memref<2120xf32, #tpu.memory_space<vmem>>[vector<16xi32>], vector<16xf32>,
          %add3A_238 = vector.broadcast %add3A_222 : i32 to vector<16xi32>
          %add3A_239 = arith.addi %add3A_67, %add3A_238 : vector<16xi32>
          tpu.vector_store_idx %arg8[%add3A_239], %gather3A : memref<4096xf32, #tpu.memory_space<vmem>>[vector<16xi32>], vector<16xf32>,
          %add3A_240 = vector.broadcast %add3A_222 : i32 to vector<16xi32>
          %add3A_241 = arith.addi %add3A_71, %add3A_240 : vector<16xi32>
          tpu.vector_store_idx %arg8[%add3A_241], %gather3A_225 : memref<4096xf32, #tpu.memory_space<vmem>>[vector<16xi32>], vector<16xf32>,
          %add3A_242 = vector.broadcast %add3A_222 : i32 to vector<16xi32>
          %add3A_243 = arith.addi %add3A_75, %add3A_242 : vector<16xi32>
          tpu.vector_store_idx %arg8[%add3A_243], %gather3A_227 : memref<4096xf32, #tpu.memory_space<vmem>>[vector<16xi32>], vector<16xf32>,
          %add3A_244 = vector.broadcast %add3A_222 : i32 to vector<16xi32>
          %add3A_245 = arith.addi %add3A_79, %add3A_244 : vector<16xi32>
          tpu.vector_store_idx %arg8[%add3A_245], %gather3A_229 : memref<4096xf32, #tpu.memory_space<vmem>>[vector<16xi32>], vector<16xf32>,
          %add3A_246 = vector.broadcast %add3A_222 : i32 to vector<16xi32>
          %add3A_247 = arith.addi %add3A_83, %add3A_246 : vector<16xi32>
          tpu.vector_store_idx %arg8[%add3A_247], %gather3A_231 : memref<4096xf32, #tpu.memory_space<vmem>>[vector<16xi32>], vector<16xf32>,
          %add3A_248 = vector.broadcast %add3A_222 : i32 to vector<16xi32>
          %add3A_249 = arith.addi %add3A_87, %add3A_248 : vector<16xi32>
          tpu.vector_store_idx %arg8[%add3A_249], %gather3A_233 : memref<4096xf32, #tpu.memory_space<vmem>>[vector<16xi32>], vector<16xf32>,
          %add3A_250 = vector.broadcast %add3A_222 : i32 to vector<16xi32>
          %add3A_251 = arith.addi %add3A_91, %add3A_250 : vector<16xi32>
          tpu.vector_store_idx %arg8[%add3A_251], %gather3A_235 : memref<4096xf32, #tpu.memory_space<vmem>>[vector<16xi32>], vector<16xf32>,
          %add3A_252 = vector.broadcast %add3A_222 : i32 to vector<16xi32>
          %add3A_253 = arith.addi %add3A_95, %add3A_252 : vector<16xi32>
          tpu.vector_store_idx %arg8[%add3A_253], %gather3A_237 : memref<4096xf32, #tpu.memory_space<vmem>>[vector<16xi32>], vector<16xf32>,
          %mul3A_254 = arith.constant 2 : i32
          %mul3A_255 = arith.muli %scan3A_180, %mul3A_254 : i32
          %add3A_256 = arith.constant 1 : i32
          %add3A_257 = arith.addi %mul3A_255, %add3A_256 : i32
          %jit3A_258 = arith.constant 8 : i32
          %div3A_259 = arith.divsi %add3A_257, %jit3A_258 : i32
          %sign3A_260 = arith.constant 0 : i32
          %sign3A_261 = arith.cmpi sgt, %add3A_257, %sign3A_260 : i32
          %sign3A_262 = arith.extui %sign3A_261 : i1 to i32
          %sign3A_263 = arith.constant 0 : i32
          %sign3A_264 = arith.cmpi slt, %add3A_257, %sign3A_263 : i32
          %sign3A_265 = arith.extui %sign3A_264 : i1 to i32
          %sign3A_266 = arith.subi %sign3A_262, %sign3A_265 : i32
          %sign3A_267 = arith.constant 0 : i32
          %sign3A_268 = arith.cmpi sgt, %jit3A_258, %sign3A_267 : i32
          %sign3A_269 = arith.extui %sign3A_268 : i1 to i32
          %sign3A_270 = arith.constant 0 : i32
          %sign3A_271 = arith.cmpi slt, %jit3A_258, %sign3A_270 : i32
          %sign3A_272 = arith.extui %sign3A_271 : i1 to i32
          %sign3A_273 = arith.subi %sign3A_269, %sign3A_272 : i32
          %ne3A_274 = arith.cmpi ne, %sign3A_266, %sign3A_273 : i32
          %rem3A_275 = arith.remsi %add3A_257, %jit3A_258 : i32
          %ne3A_276 = arith.constant 0 : i32
          %ne3A_277 = arith.cmpi ne, %rem3A_275, %ne3A_276 : i32
          %and3A_278 = arith.andi %ne3A_274, %ne3A_277 : i1
          %sub3A_279 = arith.constant 1 : i32
          %sub3A_280 = arith.subi %div3A_259, %sub3A_279 : i32
          %select_n3A_281 = arith.select %and3A_278, %sub3A_280, %div3A_259 : i32
          %rem3A_282 = arith.constant 8 : i32
          %rem3A_283 = arith.remsi %add3A_257, %rem3A_282 : i32
          %mul3A_284 = arith.constant 16 : i32
          %mul3A_285 = arith.muli %add3A_257, %mul3A_284 : i32
          %get3A_286 = arith.index_cast %select_n3A : i32 to index
          %get3A_287 = arith.index_cast %mul3A_285 : i32 to index
          %get3A_288 = tpu.vector_load %arg6[%get3A_286, %get3A_287] {strides = array<i32>} : memref<200x512xi32, #tpu.memory_space<vmem>>, vector<16xi32>,
          %mul3A_289 = arith.constant 32 : i32
          %mul3A_290 = vector.broadcast %mul3A_289 : i32 to vector<16xi32>
          %mul3A_291 = arith.muli %get3A_288, %mul3A_290 : vector<16xi32>
          %mul3A_292 = arith.constant 1024 : i32
          %mul3A_293 = arith.muli %select_n3A_281, %mul3A_292 : i32
          %mul3A_294 = arith.constant 16 : i32
          %mul3A_295 = arith.muli %rem3A_283, %mul3A_294 : i32
          %add3A_296 = arith.addi %mul3A_293, %mul3A_295 : i32
          %add3A_297 = arith.addi %mul3A_291, %add3A_154 : vector<16xi32>
          %gather3A_298 = tpu.vector_load_idx %arg5[%add3A_297] : memref<2120xf32, #tpu.memory_space<vmem>>[vector<16xi32>], vector<16xf32>,
          %add3A_299 = arith.addi %mul3A_291, %add3A_156 : vector<16xi32>
          %gather3A_300 = tpu.vector_load_idx %arg5[%add3A_299] : memref<2120xf32, #tpu.memory_space<vmem>>[vector<16xi32>], vector<16xf32>,
          %add3A_301 = arith.addi %mul3A_291, %add3A_158 : vector<16xi32>
          %gather3A_302 = tpu.vector_load_idx %arg5[%add3A_301] : memref<2120xf32, #tpu.memory_space<vmem>>[vector<16xi32>], vector<16xf32>,
          %add3A_303 = arith.addi %mul3A_291, %add3A_160 : vector<16xi32>
          %gather3A_304 = tpu.vector_load_idx %arg5[%add3A_303] : memref<2120xf32, #tpu.memory_space<vmem>>[vector<16xi32>], vector<16xf32>,
          %add3A_305 = arith.addi %mul3A_291, %add3A_162 : vector<16xi32>
          %gather3A_306 = tpu.vector_load_idx %arg5[%add3A_305] : memref<2120xf32, #tpu.memory_space<vmem>>[vector<16xi32>], vector<16xf32>,
          %add3A_307 = arith.addi %mul3A_291, %add3A_164 : vector<16xi32>
          %gather3A_308 = tpu.vector_load_idx %arg5[%add3A_307] : memref<2120xf32, #tpu.memory_space<vmem>>[vector<16xi32>], vector<16xf32>,
          %add3A_309 = arith.addi %mul3A_291, %add3A_166 : vector<16xi32>
          %gather3A_310 = tpu.vector_load_idx %arg5[%add3A_309] : memref<2120xf32, #tpu.memory_space<vmem>>[vector<16xi32>], vector<16xf32>,
          %add3A_311 = arith.addi %mul3A_291, %add3A_168 : vector<16xi32>
          %gather3A_312 = tpu.vector_load_idx %arg5[%add3A_311] : memref<2120xf32, #tpu.memory_space<vmem>>[vector<16xi32>], vector<16xf32>,
          %add3A_313 = vector.broadcast %add3A_296 : i32 to vector<16xi32>
          %add3A_314 = arith.addi %add3A_67, %add3A_313 : vector<16xi32>
          tpu.vector_store_idx %arg8[%add3A_314], %gather3A_298 : memref<4096xf32, #tpu.memory_space<vmem>>[vector<16xi32>], vector<16xf32>,
          %add3A_315 = vector.broadcast %add3A_296 : i32 to vector<16xi32>
          %add3A_316 = arith.addi %add3A_71, %add3A_315 : vector<16xi32>
          tpu.vector_store_idx %arg8[%add3A_316], %gather3A_300 : memref<4096xf32, #tpu.memory_space<vmem>>[vector<16xi32>], vector<16xf32>,
          %add3A_317 = vector.broadcast %add3A_296 : i32 to vector<16xi32>
          %add3A_318 = arith.addi %add3A_75, %add3A_317 : vector<16xi32>
          tpu.vector_store_idx %arg8[%add3A_318], %gather3A_302 : memref<4096xf32, #tpu.memory_space<vmem>>[vector<16xi32>], vector<16xf32>,
          %add3A_319 = vector.broadcast %add3A_296 : i32 to vector<16xi32>
          %add3A_320 = arith.addi %add3A_79, %add3A_319 : vector<16xi32>
          tpu.vector_store_idx %arg8[%add3A_320], %gather3A_304 : memref<4096xf32, #tpu.memory_space<vmem>>[vector<16xi32>], vector<16xf32>,
          %add3A_321 = vector.broadcast %add3A_296 : i32 to vector<16xi32>
          %add3A_322 = arith.addi %add3A_83, %add3A_321 : vector<16xi32>
          tpu.vector_store_idx %arg8[%add3A_322], %gather3A_306 : memref<4096xf32, #tpu.memory_space<vmem>>[vector<16xi32>], vector<16xf32>,
          %add3A_323 = vector.broadcast %add3A_296 : i32 to vector<16xi32>
          %add3A_324 = arith.addi %add3A_87, %add3A_323 : vector<16xi32>
          tpu.vector_store_idx %arg8[%add3A_324], %gather3A_308 : memref<4096xf32, #tpu.memory_space<vmem>>[vector<16xi32>], vector<16xf32>,
          %add3A_325 = vector.broadcast %add3A_296 : i32 to vector<16xi32>
          %add3A_326 = arith.addi %add3A_91, %add3A_325 : vector<16xi32>
          tpu.vector_store_idx %arg8[%add3A_326], %gather3A_310 : memref<4096xf32, #tpu.memory_space<vmem>>[vector<16xi32>], vector<16xf32>,
          %add3A_327 = vector.broadcast %add3A_296 : i32 to vector<16xi32>
          %add3A_328 = arith.addi %add3A_95, %add3A_327 : vector<16xi32>
          tpu.vector_store_idx %arg8[%add3A_328], %gather3A_312 : memref<4096xf32, #tpu.memory_space<vmem>>[vector<16xi32>], vector<16xf32>,
        }
        %scan3A_174 = arith.constant 16 : i32
        %mul3A_175 = arith.constant 1024 : i32
        %mul3A_176 = arith.muli %mul3A_2, %mul3A_175 : i32
        %dma_start3A = tpu.memref_slice %arg4[%scan3A_114, %mul3A_176] : memref<800x131072xf32, #tpu.memory_space<hbm>> -> memref<1x4096xf32, #tpu.memory_space<hbm>>
        %dma_start3A_177 = tpu.memref_squeeze %dma_start3A : memref<1x4096xf32, #tpu.memory_space<hbm>> -> memref<4096xf32, #tpu.memory_space<hbm>>
        %dma_start3A_178 = tpu.memref_slice %arg4[%scan3A_114, %mul3A_176] : memref<800x131072xf32, #tpu.memory_space<hbm>> -> memref<1x4096xf32, #tpu.memory_space<hbm>>
        %dma_start3A_179 = tpu.memref_squeeze %dma_start3A_178 : memref<1x4096xf32, #tpu.memory_space<hbm>> -> memref<4096xf32, #tpu.memory_space<hbm>>
        tpu.enqueue_dma source(%arg8 : memref<4096xf32, #tpu.memory_space<vmem>>) target(%dma_start3A_179 : memref<4096xf32, #tpu.memory_space<hbm>>) target_semaphore(%arg10 : memref<!tpu.dma_semaphore, #tpu.memory_space<semaphore_mem>>)
      } else {
      }
    }
    %scan3A_100 = arith.constant 800 : i32
    %mul3A_101 = arith.constant 1024 : i32
    %mul3A_102 = arith.muli %mul3A_2, %mul3A_101 : i32
    %dma_wait3A = arith.constant 798 : i32
    %dma_wait3A_103 = tpu.memref_slice %arg4[%dma_wait3A, %mul3A_102] : memref<800x131072xf32, #tpu.memory_space<hbm>> -> memref<1x4096xf32, #tpu.memory_space<hbm>>
    %dma_wait3A_104 = tpu.memref_squeeze %dma_wait3A_103 : memref<1x4096xf32, #tpu.memory_space<hbm>> -> memref<4096xf32, #tpu.memory_space<hbm>>
    %dma_wait3A_105 = tpu.memref_slice %arg4[%dma_wait3A, %mul3A_102] : memref<800x131072xf32, #tpu.memory_space<hbm>> -> memref<1x4096xf32, #tpu.memory_space<hbm>>
    %dma_wait3A_106 = tpu.memref_squeeze %dma_wait3A_105 : memref<1x4096xf32, #tpu.memory_space<hbm>> -> memref<4096xf32, #tpu.memory_space<hbm>>
    tpu.wait_dma2 semaphore(%arg9 : memref<!tpu.dma_semaphore, #tpu.memory_space<semaphore_mem>>) src(%arg7 : memref<4096xf32, #tpu.memory_space<vmem>>) dst(%dma_wait3A_106 : memref<4096xf32, #tpu.memory_space<hbm>>)
    %mul3A_107 = arith.constant 1024 : i32
    %mul3A_108 = arith.muli %mul3A_2, %mul3A_107 : i32
    %dma_wait3A_109 = arith.constant 799 : i32
    %dma_wait3A_110 = tpu.memref_slice %arg4[%dma_wait3A_109, %mul3A_108] : memref<800x131072xf32, #tpu.memory_space<hbm>> -> memref<1x4096xf32, #tpu.memory_space<hbm>>
    %dma_wait3A_111 = tpu.memref_squeeze %dma_wait3A_110 : memref<1x4096xf32, #tpu.memory_space<hbm>> -> memref<4096xf32, #tpu.memory_space<hbm>>
    %dma_wait3A_112 = tpu.memref_slice %arg4[%dma_wait3A_109, %mul3A_108] : memref<800x131072xf32, #tpu.memory_space<hbm>> -> memref<1x4096xf32, #tpu.memory_space<hbm>>
    %dma_wait3A_113 = tpu.memref_squeeze %dma_wait3A_112 : memref<1x4096xf32, #tpu.memory_space<hbm>> -> memref<4096xf32, #tpu.memory_space<hbm>>
    tpu.wait_dma2 semaphore(%arg10 : memref<!tpu.dma_semaphore, #tpu.memory_space<semaphore_mem>>) src(%arg8 : memref<4096xf32, #tpu.memory_space<vmem>>) dst(%dma_wait3A_113 : memref<4096xf32, #tpu.memory_space<hbm>>)
    return
  }
}

</mosaic_0001>

<sc_bundles>
// kernel: kernel.3.cloned.1.call-start
scs
__scs_entry_jumppad:
0x0: {  	(pc) =	sbr.rel $0x88, $3  }
0x1: {  	(tag) =	ssettag $0x0;
	lr =	simm.s32 $0x1  }
0x2: {  	[smem:$0x3F9F] =	sst lr;
	_ =	strace $0xD0000000  }
0x3: {  	_ = 	snop  }
0x4: {  	_ = 	snop  }
0x5: {  	_ = 	snop  }
0x6: {  	_ = 	snop  }
0x7: {  	_ = 	snop  }
__scs_overlays_trampoline_lowered:
0x8: {  	[smem:$0x3FAE] =	sst s0  }
0x9: {  	[smem:$0x3FAF] =	sst s1  }
0xa: {  	[smem:$0x3FB0] =	sst s2  }
0xb: {  	[smem:$0x3FB1] =	sst s3  }
0xc: {  	[smem:$0x3FB2] =	sst s4  }
0xd: {  	[smem:$0x3FB3] =	sst s5  }
0xe: {  	[smem:$0x3FB4] =	sst s6  }
0xf: {  	[smem:$0x3FB5] =	sst s7  }
0x10: {  	[smem:$0x3FB6] =	sst s8  }
0x11: {  	[smem:$0x3FB7] =	sst s9;
	s0 =	simm.s32 @!p0 $0x0  }
0x12: {  	s1 =	sld [smem:$0x3F9D];
	s0 =	simm.s32 @p0 $0x1  }
0x13: {  	[smem:$0x3FB8] =	sst s0;
	s0 =	simm.s32 @!p1 $0x0  }
0x14: {  	s2 =	sld [smem:$0x3F9C];
	s0 =	simm.s32 @p1 $0x1  }
0x15: {  	[smem:$0x3FB9] =	sst s0;
	s0 =	simm.s32 @!p2 $0x0  }
0x16: {  	s3 =	sld [smem:$0x3FDB];
	s0 =	simm.s32 @p2 $0x1  }
0x17: {  	s4 =	simm.s32 $0x1BF5;
	[smem:$0x3FBB] =	sst s0  }
0x18: {  	s0 =	sld [smem:$0x3F9E];
	_ =	swait.ge [sflag:s4], $0x0  }
0x19: {  	s7 =	sld [smem:$0x3F9F]  }
0x1a: {  	s8 =	sadd.s32 $0xFFFFE003, lr  }
0x1b: {  	s9 =	sadd.s32 $0xFFFFFEF7, lr;
	s5 =	simm.s32 $0xFFFFFFFF;
	p2 =	slt.u32 s8, $0xFFFFF086  }
0x1c: {  	p1 =	slt.u32 s9, $0xF7A;
	s5 =	simm.s32 @!p2 $0x0  }
0x1d: {  	s5 =	simm.s32 @p1 $0x1;
	p0 =	seq.s32 s7, s2  }
0x1e: {  	s7 =	smul.u32 @!p0 $0xF7A, s2;
	p2 =	seq.s32 @!p0 s5, $0x0  }
0x1f: {  	s9 =	smul.u32 $0xF7A, s1;
	s8 =	simm.s32 @!p0 $0x1BF5;
	p2 =	por !p2, p0  }
0x20: {  	[sflag:s8] =	ssyncset.s32 @!p0 $0xFFFFF086;
	s6 =	sadd.s32 @!p0 s3, s7;
	s7 =	simm.s32 @!p0 $0x108  }
0x21: {  	s3 =	sadd.s32 s3, s9;
	s6 =	sadd.s32 @!p0 $0x88, s6;
	s7 =	simm.s32 @p2 $0x1082  }
0x22: {  	[simem:s7], [sflag:s8] =	dma.local @!p0 [hbm:s6], $0xF7A  }
0x23: {  	s9 =	sor.u32 $0xD0000000, s2;
	s6 =	simm.s32 $0x108;
	_ =	swait.ge @!p0 [sflag:s8], $0x0  }
0x24: {  	s3 =	sadd.s32 $0x88, s3;
	s6 =	simm.s32 @!p1 $0x1082;
	[sflag:s4] =	ssyncset.s32 $0xFFFFF086  }
0x25: {  	[simem:s6], [sflag:s4] =	dma.local [hbm:s3], $0xF7A  }
0x26: {  	[smem:$0x3F9F] =	sst s1;
	(tag) =	ssettag s2;
	_ =	strace s9  }
0x27: {  	s1 =	sld [smem:$0x3FAF]  }
0x28: {  	s2 =	sld [smem:$0x3FB0]  }
0x29: {  	s4 =	sld [smem:$0x3FB2]  }
0x2a: {  	p0 =	seq.s32 s5, $0x0;
	s5 =	sld [smem:$0x3FB3]  }
0x2b: {  	s6 =	sld [smem:$0x3FB4]  }
0x2c: {  	s7 =	sld [smem:$0x3FB5]  }
0x2d: {  	s3 =	simm.s32 $0x108;
	s8 =	sld [smem:$0x3FB6]  }
0x2e: {  	s3 =	simm.s32 @!p0 $0x1082;
	s9 =	sld [smem:$0x3FB7]  }
0x2f: {  	lr =	sadd.s32 s0, s3;
	s0 =	sld [smem:$0x3FAE]  }
0x30: {  	s3 =	sld [smem:$0x3FB1]  }
0x31: {  	[smem:$0x3FBA] =	sst s10  }
0x32: {  	s10 =	sld [smem:$0x3FB8];
	_ =	sdelay $0x3  }
0x33: {  	p0 =	seq.s32 s10, $0x1;
	s10 =	sld [smem:$0x3FBA];
	_ =	sdelay $0x3  }
0x34: {  	[smem:$0x3FBA] =	sst s10  }
0x35: {  	s10 =	sld [smem:$0x3FB9];
	_ =	sdelay $0x3  }
0x36: {  	p1 =	seq.s32 s10, $0x1;
	s10 =	sld [smem:$0x3FBA];
	_ =	sdelay $0x3  }
0x37: {  	[smem:$0x3FBA] =	sst s10  }
0x38: {  	s10 =	sld [smem:$0x3FBB]  }
0x39: {  	_ = 	snop;
	(pc) =	sbr.ind lr, $3  }
0x3a: {  	_ = 	snop  }
0x3b: {  	_ = 	snop  }
0x3c: {  	p2 =	seq.s32 s10, $0x1;
	s10 =	sld [smem:$0x3FBA]  }
0x3d: {  	_ =	shalt  }
0x3e: {  	_ =	shalt  }
0x3f: {  	_ =	shalt  }
0x40: {  	_ =	shalt  }
0x41: {  	_ =	shalt  }
0x42: {  	_ =	shalt  }
0x43: {  	_ =	shalt  }
0x44: {  	_ =	shalt  }
0x45: {  	_ =	shalt  }
0x46: {  	_ =	shalt  }
0x47: {  	_ =	shalt  }
0x48: {  	_ =	shalt  }
0x49: {  	_ =	shalt  }
0x4a: {  	_ =	shalt  }
0x4b: {  	_ =	shalt  }
0x4c: {  	_ =	shalt  }
0x4d: {  	_ =	shalt  }
0x4e: {  	_ =	shalt  }
0x4f: {  	_ =	shalt  }
0x50: {  	_ =	shalt  }
0x51: {  	_ =	shalt  }
0x52: {  	_ =	shalt  }
0x53: {  	_ =	shalt  }
0x54: {  	_ =	shalt  }
0x55: {  	_ =	shalt  }
0x56: {  	_ =	shalt  }
0x57: {  	_ =	shalt  }
0x58: {  	_ =	shalt  }
0x59: {  	_ =	shalt  }
0x5a: {  	_ =	shalt  }
0x5b: {  	_ =	shalt  }
0x5c: {  	_ =	shalt  }
0x5d: {  	_ =	shalt  }
0x5e: {  	_ =	shalt  }
0x5f: {  	_ =	shalt  }
0x60: {  	_ =	shalt  }
0x61: {  	_ =	shalt  }
0x62: {  	_ =	shalt  }
0x63: {  	_ =	shalt  }
0x64: {  	_ =	shalt  }
0x65: {  	_ =	shalt  }
0x66: {  	_ =	shalt  }
0x67: {  	_ =	shalt  }
0x68: {  	_ =	shalt  }
0x69: {  	_ =	shalt  }
0x6a: {  	_ =	shalt  }
0x6b: {  	_ =	shalt  }
0x6c: {  	_ =	shalt  }
0x6d: {  	_ =	shalt  }
0x6e: {  	_ =	shalt  }
0x6f: {  	_ =	shalt  }
0x70: {  	_ =	shalt  }
0x71: {  	_ =	shalt  }
0x72: {  	_ =	shalt  }
0x73: {  	_ =	shalt  }
0x74: {  	_ =	shalt  }
0x75: {  	_ =	shalt  }
0x76: {  	_ =	shalt  }
0x77: {  	_ =	shalt  }
0x78: {  	_ =	shalt  }
0x79: {  	_ =	shalt  }
0x7a: {  	_ =	shalt  }
0x7b: {  	_ =	shalt  }
0x7c: {  	_ =	shalt  }
0x7d: {  	_ =	shalt  }
0x7e: {  	_ =	shalt  }
0x7f: {  	_ =	shalt  }
0x80: {  	_ =	shalt  }
0x81: {  	_ =	shalt  }
0x82: {  	_ =	shalt  }
0x83: {  	_ =	shalt  }
0x84: {  	_ =	shalt  }
0x85: {  	_ =	shalt  }
0x86: {  	_ =	shalt  }
0x87: {  	_ =	shalt  }
.Lfunc_end0:
.L_simem_size_0:
called_computation_lowered:
.L_overlay_start_0:
0x88: {  	s2 =	sld [smem:$0x3FD9]  }
0x89: {  	s3 =	sld [smem:$0x3FFE];
	_ =	sdelay $0x1  }
0x8a: {  	s1 =	srdreg.scid  }
0x8b: {  	s0 =	sand.u32 $0x1, s1  }
0x8c: {  	s17 =	sshll.u32 s0, $0xA;
	s2 =	sadd.s32 s3, s2  }
0x8d: {  	s2 =	sadd.s32 s2, s17  }
0x8e: {  	[smem:$0x3FC6] =	sst s2  }
0x8f: {  	_ = 	snop  }
0x90: {  	s2 =	sld [smem:$0x3FD0];
	(tm) =	ssettm $0x1  }
0x91: {  	s18 =	sld [smem:$0x3FFB];
	_ =	sdelay $0x3  }
0x92: {  	_ =	strace s18  }
0x93: {  	s3 =	sld [smem:$0x3FFC];
	_ =	sdelay $0x3  }
0x94: {  	_ =	strace s3  }
0x95: {  	s3 =	sld [smem:$0x3FFD];
	_ =	sdelay $0x3  }
0x96: {  	_ =	strace s3  }
0x97: {  	_ =	strace $0x8FFFFFFF  }
0x98: {  	s19 =	sld [smem:$0x3FDB];
	_ =	sdelay $0x1  }
0x99: {  	s4 =	simm.s32 $_scs_section_size  }
0x9a: {  	s5 =	simm.s32 $_size__tile_overlayer_lowered;
	s6 =	simm.s32 $_tile_overlayer_lowered  }
0x9b: {  	s22 =	simm.s32 $0x1BFF;
	s21 =	sshll.u32 s6, $0x1;
	s3 =	sadd.s32 s4, s19  }
0x9c: {  	s7 =	simm.s32 $0x0;
	s20 =	sshll.u32 s5, $0x1;
	s5 =	sadd.s32 s21, s3  }
0x9d: {  	[timem:s7], [sflag:s22] =	dma.local [hbm:s5], s20  }
0x9e: {  	_ =	swait.ge [sflag:s22], s20  }
0x9f: {  	s4 =	ssub.s32 $0x0, s20;
	[sflag:s22] =	ssyncset.done $0x0  }
0xa0: {  	[sflag:s22] =	ssyncadd.s32 s4;
	_ =	sdelay $0x1  }
0xa1: {  	s23 =	simm.s32 $0x1B8B  }
0xa2: {  	_ =	swait.ge [sflag:s23], $0x1  }
0xa3: {  	[sflag:s23] =	ssyncset.done $0x0  }
0xa4: {  	s25 =	simm.s32 $0x1B8E;
	s24 =	sld [smem:$0x3FFE];
	[sflag:s23] =	ssyncadd.s32 $0xFFFFFFFF  }
0xa5: {  	s26 =	simm.s32 $execute0_lowered;
	[smem:$0x3FD2] =	sst s25  }
0xa6: {  	s5 =	sshll.u32 s26, $0x1;
	_ =	strace $0x80000046;
	[dreg:$0x1] =	wrdreg $0xFFFFFFFF  }
0xa7: {  	s28 =	simm.s32 $_size_execute0_lowered;
	s3 =	sadd.s32 s3, s5;
	[dreg:$0x0] =	wrdreg $0x0  }
0xa8: {  	s5 =	sshll.u32 s28, $0x1;
	[dreg:$0x2] =	wrdreg s3  }
0xa9: {  	[dreg:$0x3] =	wrdreg s5  }
0xaa: {  	[dreg:$0x4] =	wrdreg $0xC0  }
0xab: {  	_ =	task [dreg:s7], $0x5FFFF  }
0xac: {  	[dreg:$0x1] =	wrdreg $0xFFFFFFFF  }
0xad: {  	[dreg:$0x0] =	wrdreg $0x60  }
0xae: {  	[dreg:$0x2] =	wrdreg s24  }
0xaf: {  	[dreg:$0x3] =	wrdreg s2  }
0xb0: {  	[dreg:$0x4] =	wrdreg $0x9  }
0xb1: {  	_ =	task.clear_ibuf [dreg:s7], $0x5FFFF;
	_ =	strace $0x90000046  }
0xb2: {  	s29 =	simm.s32 $0x9;
	_ =	strace $0x80000048  }
0xb3: {  	_ =	swait.ge [sflag:s29], $0x1  }
0xb4: {  	[sflag:s29] =	ssyncadd.s32 $0xFFFFFFFF  }
0xb5: {  	_ =	strace $0x90000048  }
0xb6: {  	_ =	sfence  }
0xb7: {  	s30 =	sld [smem:$0x0];
	_ =	sdelay $0x2  }
0xb8: {  	s31 =	sshll.u32 s1, $0xD;
	s1 =	sshrl.u32 s1, $0x2  }
0xb9: {  	s3 =	sand.u32 $0x4000, s31;
	s1 =	sadd.s32 s1, s30  }
0xba: {  	s0 =	sor.u32 s3, s0;
	s1 =	sshll.u32 s1, $0x11  }
0xbb: {  	s0 =	sor.u32 s1, s0  }
0xbc: {  	s0 =	sadd.s32 $0x8F2B, s0  }
0xbd: {  	[sflag:s0] =	ssyncadd.remote.s32 $0x1  }
0xbe: {  	_ =	sfence.sel $0xFFFF  }
0xbf: {  	[dreg:$0x0] =	wrdreg $0xFFFFFFFF;
	(pc) =	sbr.abs _section_cstart, $3  }
0xc0: {  	[dreg:$0x1] =	wrdreg $0xFFFFFFFF  }
0xc1: {  	_ =	task.clear_ibuf [dreg:s7], $0x2FFFF;
	_ =	strace $0x9FFFFFFF  }
0xc2: {  	(tm) =	ssettm $0x7FFFFFFF  }
0xc3: {  	_ =	shalt  }
tec
execute0_lowered:
.L_overlay_start_1:
0x0: {  	(tag) =	ssettag $0x1  }
0x1: {  	v0 =	vimm.s32 $0x76543210;
	vm7 =	vcmask $0x1F00  }
0x2: {  	vm6 =	vcmask $0x2320;
	v1 =	vimm.s32 $0x67452301;
	vm5 =	vcmask $0x2724  }
0x3: {  	vm4 =	vcmask $0x2B28;
	vm2 =	vcmask $0x2F2C;
	vm0 =	vcmask $0x3330  }
0x4: {  	v3 =	vimm.s32 $0x54761032;
	v4 =	vimm.s32 $0x45670123;
	vm1 =	vcmask $0x3734  }
0x5: {  	vm3 =	vcmask $0x3B38;
	v7 =	vimm.s32 $0x32107654;
	v10 =	vimm.s32 $0x10325476  }
0x6: {  	vm13 =	vcmask $0x300;
	v15 =	vimm.s32 $0x30F;
	vm14 =	vcmask $0x704  }
0x7: {  	vm12 =	vcmask $0xB08;
	vm11 =	vcmask $0xF0C;
	vm10 =	vcmask $0x1310  }
0x8: {  	vm9 =	vcmask $0x1714;
	vm8 =	vcmask $0x1B18;
	vm15 =	vcmask $0x1F1C  }
0x9: {  	v19 =	vimm.s32 $0x20F;
	v20 =	vimm.s32 $0x18F;
	v21 =	vimm.s32 $0x10F  }
0xa: {  	v22 =	vimm.s32 $0x8F;
	v23 =	vimm.s32 $0xF;
	v0 =	vunpack.c.l.s4.s8 v0  }
0xb: {  	v1 =	vunpack.c.l.s4.s8 v1;
	v3 =	vunpack.c.l.s4.s8 v3;
	v4 =	vunpack.c.l.s4.s8 v4  }
0xc: {  	v7 =	vunpack.c.l.s4.s8 v7;
	v10 =	vunpack.c.l.s4.s8 v10;
	v15 =	vsel vm13, $0x80, v15  }
0xd: {  	v19 =	vsel vm13, $0x180, v19;
	v20 =	vsel vm13, $0x200, v20;
	v21 =	vsel vm13, $0x280, v21  }
0xe: {  	v22 =	vsel vm13, $0x300, v22;
	v23 =	vsel vm13, $0x380, v23;
	v15 =	vsel vm14, $0x1, v15  }
0xf: {  	v19 =	vsel vm14, $0x101, v19;
	v20 =	vsel vm14, $0x281, v20;
	v21 =	vsel vm14, $0x201, v21  }
0x10: {  	v22 =	vsel vm14, $0x381, v22;
	v23 =	vsel vm14, $0x301, v23;
	v0 =	vunpack.c.0.s8.s32 v0  }
0x11: {  	v15 =	vsel vm12, $0x182, v15;
	v19 =	vsel vm12, $0x82, v19;
	v20 =	vsel vm12, $0x302, v20  }
0x12: {  	v21 =	vsel vm12, $0x382, v21;
	v22 =	vsel vm12, $0x202, v22;
	v23 =	vsel vm12, $0x282, v23  }
0x13: {  	v15 =	vsel vm11, $0x103, v15;
	v19 =	vsel vm11, $0x3, v19;
	v20 =	vsel vm11, $0x383, v20  }
0x14: {  	v21 =	vsel vm11, $0x303, v21;
	v22 =	vsel vm11, $0x283, v22;
	v0 =	vnsel vm7, $0x42F, v0  }
0x15: {  	v23 =	vsel vm11, $0x203, v23;
	v15 =	vsel vm10, $0x284, v15;
	v0 =	vsel vm6, $0x428, v0  }
0x16: {  	v19 =	vsel vm10, $0x384, v19;
	v20 =	vsel vm10, $0x4, v20;
	v0 =	vsel vm5, $0x429, v0  }
0x17: {  	v21 =	vsel vm10, $0x84, v21;
	v2 =	vsel vm4, $0x42A, v0;
	v0 =	vunpack.c.0.s8.s32 v1  }
0x18: {  	v22 =	vsel vm10, $0x104, v22;
	v23 =	vsel vm10, $0x184, v23;
	v15 =	vsel vm9, $0x205, v15  }
0x19: {  	v19 =	vsel vm9, $0x305, v19;
	v1 =	vsel vm2, $0x42B, v2;
	v2 =	vnsel vm7, $0x42E, v0  }
0x1a: {  	v20 =	vsel vm9, $0x85, v20;
	v1 =	vsel vm0, $0x42C, v1;
	v2 =	vsel vm6, $0x429, v2  }
0x1b: {  	v5 =	vsel vm1, $0x42D, v1;
	v1 =	vunpack.c.0.s8.s32 v3;
	v2 =	vsel vm5, $0x428, v2  }
0x1c: {  	v21 =	vsel vm9, $0x5, v21;
	v3 =	vsel vm3, $0x42E, v5;
	v2 =	vsel vm4, $0x42B, v2  }
0x1d: {  	v5 =	vnsel vm7, $0x42D, v1;
	v6 =	vsel vm2, $0x42A, v2;
	v2 =	vunpack.c.0.s8.s32 v4  }
0x1e: {  	v22 =	vsel vm9, $0x185, v22;
	v23 =	vsel vm9, $0x105, v23;
	v5 =	vsel vm6, $0x42A, v5  }
0x1f: {  	v4 =	vsel vm0, $0x42D, v6;
	v5 =	vsel vm5, $0x42B, v5;
	v6 =	vnsel vm7, $0x42C, v2  }
0x20: {  	v8 =	vsel vm1, $0x42C, v4;
	v4 =	vsel vm4, $0x428, v5;
	v6 =	vsel vm6, $0x42B, v6  }
0x21: {  	v5 =	vsel vm5, $0x42A, v6;
	v6 =	vsel vm2, $0x429, v4;
	v4 =	vunpack.c.0.s8.s32 v7  }
0x22: {  	v15 =	vsel vm8, $0x386, v15;
	v19 =	vsel vm8, $0x286, v19;
	v20 =	vsel vm8, $0x106, v20  }
0x23: {  	v9 =	vsel vm4, $0x429, v5;
	v5 =	vsel vm3, $0x42F, v8;
	v8 =	vnsel vm7, $0x42B, v4  }
0x24: {  	v7 =	vsel vm2, $0x428, v9;
	v9 =	vimm.s32 $0x23016745;
	v8 =	vsel vm6, $0x42C, v8  }
0x25: {  	v7 =	vsel vm0, $0x42F, v7;
	v9 =	vunpack.c.l.s4.s8 v9;
	v8 =	vsel vm5, $0x42D, v8  }
0x26: {  	v21 =	vsel vm8, $0x186, v21;
	v11 =	vsel vm1, $0x42E, v7;
	v7 =	vsel vm4, $0x42E, v8  }
0x27: {  	v22 =	vsel vm8, $0x6, v22;
	v12 =	vsel vm2, $0x42F, v7;
	v7 =	vunpack.c.0.s8.s32 v9  }
0x28: {  	v23 =	vsel vm8, $0x86, v23;
	v8 =	vunpack.c.0.s8.s32 v10;
	v9 =	vsel vm3, $0x42D, v11  }
0x29: {  	v11 =	vimm.s32 $0x1234567;
	v10 =	vsel vm0, $0x428, v12;
	v12 =	vnsel vm7, $0x42A, v7  }
0x2a: {  	v13 =	vnsel vm7, $0x429, v8;
	v11 =	vunpack.c.l.s4.s8 v11;
	v12 =	vsel vm6, $0x42D, v12  }
0x2b: {  	v15 =	vsel vm15, $0x307, v15;
	v13 =	vsel vm6, $0x42E, v13;
	v12 =	vsel vm5, $0x42C, v12  }
0x2c: {  	v13 =	vsel vm5, $0x42F, v13;
	v11 =	vunpack.c.0.s8.s32 v11;
	v12 =	vsel vm4, $0x42F, v12  }
0x2d: {  	v19 =	vsel vm15, $0x207, v19;
	v13 =	vsel vm4, $0x42C, v13;
	v12 =	vsel vm2, $0x42E, v12  }
0x2e: {  	v13 =	vsel vm2, $0x42D, v13;
	v11 =	vnsel vm7, $0x428, v11;
	v12 =	vsel vm0, $0x429, v12  }
0x2f: {  	v13 =	vsel vm0, $0x42A, v13;
	v11 =	vsel vm6, $0x42F, v11;
	v12 =	vsel vm1, $0x428, v12  }
0x30: {  	v13 =	vsel vm1, $0x42B, v13;
	v14 =	vsel vm5, $0x42E, v11;
	v11 =	vsel vm3, $0x42B, v12  }
0x31: {  	v12 =	vsel vm3, $0x428, v13;
	v13 =	vsel vm4, $0x42D, v14;
	v14 =	vimm.s32 $0x38F  }
0x32: {  	v20 =	vsel vm15, $0x187, v20;
	v21 =	vsel vm15, $0x107, v21;
	v14 =	vsel vm13, $0x0, v14  }
0x33: {  	v22 =	vsel vm15, $0x87, v22;
	v23 =	vsel vm15, $0x7, v23;
	v14 =	vsel vm14, $0x81, v14  }
0x34: {  	v15 =	vsel vm6, $0x88, v15;
	v19 =	vsel vm6, $0x188, v19;
	v14 =	vsel vm12, $0x102, v14  }
0x35: {  	v20 =	vsel vm6, $0x208, v20;
	v21 =	vsel vm6, $0x288, v21;
	v14 =	vsel vm11, $0x183, v14  }
0x36: {  	v22 =	vsel vm6, $0x308, v22;
	v23 =	vsel vm6, $0x388, v23;
	v14 =	vsel vm10, $0x204, v14  }
0x37: {  	v19 =	vsel vm5, $0x109, v19;
	v20 =	vsel vm5, $0x289, v20;
	v14 =	vsel vm9, $0x285, v14  }
0x38: {  	v21 =	vsel vm5, $0x209, v21;
	v22 =	vsel vm5, $0x389, v22;
	v14 =	vsel vm8, $0x306, v14  }
0x39: {  	v23 =	vsel vm5, $0x309, v23;
	v13 =	vsel vm2, $0x42C, v13;
	v14 =	vsel vm15, $0x387, v14  }
0x3a: {  	v19 =	vsel vm4, $0x8A, v19;
	v13 =	vsel vm0, $0x42B, v13;
	v14 =	vsel vm6, $0x8, v14  }
0x3b: {  	v16 =	vsel vm1, $0x42A, v13;
	v13 =	vsel vm5, $0x89, v14;
	v14 =	vsel vm5, $0x9, v15  }
0x3c: {  	v15 =	vlaneseq.u32;
	v17 =	vsel vm4, $0x10A, v13;
	v14 =	vsel vm4, $0x18A, v14  }
0x3d: {  	v13 =	vand.u32 $0x7, v15;
	v15 =	vsel vm2, $0x18B, v17;
	v14 =	vsel vm2, $0x10B, v14  }
0x3e: {  	v17 =	vmul.u32 $0xFFFFFFFF, v13;
	v15 =	vsel vm0, $0x20C, v15;
	v18 =	vsel vm0, $0x28C, v14  }
0x3f: {  	v14 =	vsel vm3, $0x429, v16;
	v16 =	vsel vm1, $0x28D, v15;
	v18 =	vsel vm1, $0x20D, v18  }
0x40: {  	v15 =	vadd.s32 $0x7, v17;
	v17 =	vsel vm3, $0x38E, v18;
	v18 =	vimm.s32 $0x28F  }
0x41: {  	v20 =	vsel vm4, $0x30A, v20;
	v21 =	vsel vm4, $0x38A, v21;
	v18 =	vsel vm13, $0x100, v18  }
0x42: {  	v22 =	vsel vm4, $0x20A, v22;
	v23 =	vsel vm4, $0x28A, v23;
	v18 =	vsel vm14, $0x181, v18  }
0x43: {  	s3 =	rddreg [dreg:$0x0];
	v19 =	vsel vm2, $0xB, v19;
	v20 =	vsel vm2, $0x38B, v20;
	v18 =	vsel vm12, $0x2, v18  }
0x44: {  	s5 =	rddreg [dreg:$0x1];
	v21 =	vsel vm2, $0x30B, v21;
	v22 =	vsel vm2, $0x28B, v22;
	v18 =	vsel vm11, $0x83, v18  }
0x45: {  	s0 =	rddreg [dreg:$0x2];
	v23 =	vsel vm2, $0x20B, v23;
	v19 =	vsel vm0, $0x38C, v19;
	v18 =	vsel vm10, $0x304, v18  }
0x46: {  	s4 =	srdreg.scid;
	s1 =	stileid.u32;
	v20 =	vsel vm0, $0xC, v20;
	v21 =	vsel vm0, $0x8C, v21;
	v18 =	vsel vm9, $0x385, v18  }
0x47: {  	s2 =	simm.s32 $0x0;
	s9 =	simm.s32 $0x200;
	s10 =	simm.s32 $0x4000;
	v22 =	vsel vm0, $0x10C, v22;
	v23 =	vsel vm0, $0x18C, v23;
	v18 =	vsel vm8, $0x206, v18  }
0x48: {  	s11 =	simm.s32 $0x848;
	s12 =	simm.s32 $0x1A848;
	s13 =	simm.s32 $0x1;
	v19 =	vsel vm1, $0x30D, v19;
	v20 =	vsel vm1, $0x8D, v20;
	v18 =	vsel vm15, $0x287, v18  }
0x49: {  	s14 =	simm.s32 $0x2;
	s15 =	simm.s32 $0x19848;
	s16 =	simm.s32 $0x0;
	v21 =	vsel vm1, $0xD, v21;
	v22 =	vsel vm1, $0x18D, v22;
	v18 =	vsel vm6, $0x108, v18  }
0x4a: {  	s4 =	sand.u32 $0x1, s4;
	s6 =	sshll.u32 s1, $0x1;
	[smem:$0x7FF] =	sst s2;
	v23 =	vsel vm1, $0x10D, v23;
	v19 =	vsel vm3, $0x28E, v19;
	v18 =	vsel vm5, $0x189, v18  }
.Ltmp0:
0x4b: {  	s6 =	sor.u32 s4, s6;
	s4 =	ssub.s32 $0x2, s4;
	v20 =	vsel vm3, $0x10E, v20;
	v21 =	vsel vm3, $0x18E, v21;
	v18 =	vsel vm4, $0xA, v18;
	(pc) =	sbr.rel .LBB2_1-.Ltmp0, $4  }
0x4c: {  	_ =	strace $0x80000047;
	s7 =	sshll.u32 s6, $0x6;
	s8 =	sshrl.u32 s4, $0x1;
	v22 =	vsel vm3, $0xE, v22;
	v6 =	vsel vm0, $0x42E, v6;
	v18 =	vsel vm2, $0x8B, v18  }
0x4d: {  	s6 =	sshll.u32 s6, $0x9;
	s7 =	sadd.s32 s7, s3;
	s3 =	sadd.s32 $0x400, s3;
	v23 =	vsel vm3, $0x8E, v23;
	v6 =	vsel vm1, $0x42F, v6;
	v18 =	vsel vm0, $0x30C, v18  }
0x4e: {  	s8 =	ssub.s32 s4, s8;
	s5 =	sadd.s32 s5, s6;
	s4 =	sadd.s32 $0x600, s7;
	v6 =	vsel vm3, $0x42C, v6;
	v10 =	vsel vm1, $0x429, v10;
	v18 =	vsel vm1, $0x38D, v18  }
0x4f: {  	s6 =	smax.u32 s8, $0x1;
	s7 =	simm.s32 $0x3;
	s8 =	simm.s32 $0x428;
	v10 =	vsel vm3, $0x42A, v10;
	v16 =	vsel vm3, $0x30E, v16;
	v18 =	vsel vm3, $0x20E, v18  }
.LBB2_10:
0x50: {  	s16 =	sadd.s32 $0x1, s16  }
0x51: {  	_ =	swait.ge [sflag:s13], $0x1000;
	p0 =	sne.s32 s16, s6  }
.Ltmp1:
0x52: {  	[sflag:s13] =	ssyncset.done $0x0;
	(pc) =	sbr.rel @!p0 .LBB2_11-.Ltmp1, $4  }
0x53: {  	[sflag:s13] =	ssyncadd.s32 $0xFFFFF000  }
0x54: {  	_ =	swait.ge [sflag:s14], $0x1000  }
0x55: {  	[sflag:s14] =	ssyncset.done $0x0  }
0x56: {  	[sflag:s14] =	ssyncadd.s32 $0xFFFFF000  }
.LBB2_1:
0x57: {  	[tilespmem:s2], [sflag:$0x3] =	stream.linear.gather [hbm4b:s3+s2], $0x420, $0x38;
	[tilespmem:$0x1B848] =	vst v63  }
0x58: {  	_ =	swait.ge [sflag:s7], $0x420  }
0x59: {  	[sflag:s7] =	ssyncset.done $0x0  }
0x5a: {  	[sflag:s7] =	ssyncadd.s32 $0xFFFFFBE0  }
0x5b: {  	[tilespmem:s8], [sflag:$0x3] =	stream.linear.gather [hbm4b:s3+s2], $0x420, $0x38;
	[tilespmem:$0x1B848] =	vst v63  }
0x5c: {  	_ =	swait.ge [sflag:s7], $0x420  }
0x5d: {  	[sflag:s7] =	ssyncset.done $0x0  }
.Ltmp2:
0x5e: {  	[sflag:s7] =	ssyncadd.s32 $0xFFFFFBE0;
	(pc) =	sbr.rel .LBB2_2-.Ltmp2, $4  }
0x5f: {  	[tilespmem:s11], [sflag:$0x3] =	stream.strided.gather [hbm4b:s4+s9], $0x19000, s10, s9, $0x38;
	[tilespmem:$0x1B848] =	vst v63  }
0x60: {  	_ =	swait.ge [sflag:s7], $0x19000  }
0x61: {  	[sflag:s7] =	ssyncset.done $0x0  }
0x62: {  	s17 =	simm.s32 $0x0;
	s18 =	simm.s32 $0x0;
	[sflag:s7] =	ssyncadd.s32 $0xFFFE7000  }
.LBB2_5:
0x63: {  	s19 =	sshll.u32 s18, $0xE  }
0x64: {  	s19 =	sadd.s32 s19, s5  }
0x65: {  	[hbm4b:s19+s2] =	stream.linear.scatter [tilespmem:s15], [sflag:$0x1], $0x1000, $0x38;
	[tilespmem:$0x1B848] =	vst v63  }
.LBB2_9:
0x66: {  	s18 =	sadd.s32 $0x1, s18  }
0x67: {  	p0 =	sne.s32 s18, $0x320  }
.Ltmp3:
0x68: {  	_ = 	snop;
	(pc) =	sbr.rel @!p0 .LBB2_10-.Ltmp3, $2  }
0x69: {  	_ =	sdelay $0x2  }
0x6a: {  	s17 =	sadd.s32 $0x80, s17  }
.LBB2_2:
0x6b: {  	s19 =	sand.u32 $0x1, s18  }
0x6c: {  	p1 =	seq.s32 s19, $0x1  }
.Ltmp4:
0x6d: {  	_ = 	snop;
	(pc) =	sbr.rel @!p1 .LBB2_3-.Ltmp4, $3  }
0x6e: {  	_ =	sdelay $0x1  }
0x6f: {  	s20 =	sand.u32 $0x3FFFFE00, s17  }
0x70: {  	p0 =	slt.u32 s18, $0x2;
	s19 =	sadd.s32 $0x858, s20;
	s20 =	sshll.u32 s18, $0x3  }
0x71: {  	s21 =	simm.s32 @!p0 $0x2;
	s20 =	sand.u32 $0x18, s20  }
0x72: {  	_ =	swait.ge @!p0 [sflag:s21], $0x1000;
	v24 =	vadd.s32 s20, v3;
	v25 =	vadd.s32 s20, v5  }
0x73: {  	v26 =	vadd.s32 s20, v6;
	v27 =	vadd.s32 s20, v9;
	v28 =	vadd.s32 s20, v10;
	[sflag:s21] =	ssyncset.done @!p0 $0x0  }
0x74: {  	v29 =	vadd.s32 s20, v11;
	v30 =	vadd.s32 s20, v12;
	v31 =	vadd.s32 s20, v14;
	s20 =	simm.s32 $0x10;
	[sflag:s21] =	ssyncadd.s32 @!p0 $0xFFFFF000;
	s21 =	simm.s32 $0x0  }
.LBB2_7:
0x75: {  	v32 =	vld [tilespmem:s19+$0xFFFFFFF0];
	_ =	sdelay $0x4  }
0x76: {  	v32 =	vshll.u32 v32, $0x5  }
0x77: {  	v33 =	vadd.s32 v24, v32  }
0x78: {  	v34 =	vadd.s32 v25, v32;
	v33 =	vand.u32 $0xFFFFFFF8, v33  }
0x79: {  	v35 =	vadd.s32 v26, v32;
	v34 =	vand.u32 $0xFFFFFFF8, v34;
	v33 =	vor.u32 v13, v33  }
0x7a: {  	v36 =	vadd.s32 v27, v32;
	v35 =	vand.u32 $0xFFFFFFF8, v35;
	v34 =	vor.u32 v0, v34  }
0x7b: {  	v37 =	vadd.s32 v28, v32;
	v36 =	vand.u32 $0xFFFFFFF8, v36;
	v35 =	vor.u32 v1, v35  }
0x7c: {  	v38 =	vadd.s32 v29, v32;
	v37 =	vand.u32 $0xFFFFFFF8, v37;
	v36 =	vor.u32 v2, v36  }
0x7d: {  	s22 =	sadd.s32 $0xFFFFFFF0, s20;
	v39 =	vadd.s32 v30, v32;
	v38 =	vand.u32 $0xFFFFFFF8, v38;
	v37 =	vor.u32 v4, v37  }
0x7e: {  	s23 =	sand.u32 $0xC00, s21;
	s22 =	sand.u32 $0x60, s22;
	v32 =	vadd.s32 v31, v32;
	v39 =	vand.u32 $0xFFFFFFF8, v39;
	v38 =	vor.u32 v7, v38;
	v33 =	vld.idx.msk [tilespmem:v33+s2+$0x0], $0xffff  }
0x7f: {  	s22 =	sor.u32 s22, s23;
	v32 =	vand.u32 $0xFFFFFFF8, v32;
	v39 =	vor.u32 v8, v39;
	v34 =	vld.idx.msk [tilespmem:v34+s2+$0x0], $0xffff  }
0x80: {  	v40 =	vor.u32 s22, v16;
	v32 =	vor.u32 v15, v32;
	v35 =	vld.idx.msk [tilespmem:v35+s2+$0x0], $0xffff  }
0x81: {  	v41 =	vor.u32 s22, v17;
	v36 =	vld.idx.msk [tilespmem:v36+s2+$0x0], $0xffff  }
0x82: {  	v42 =	vor.u32 s22, v18;
	v37 =	vld.idx.msk [tilespmem:v37+s2+$0x0], $0xffff  }
0x83: {  	v43 =	vor.u32 s22, v19;
	v38 =	vld.idx.msk [tilespmem:v38+s2+$0x0], $0xffff  }
0x84: {  	v44 =	vor.u32 s22, v20;
	v39 =	vld.idx.msk [tilespmem:v39+s2+$0x0], $0xffff  }
0x85: {  	v46 =	vor.u32 s22, v21;
	v32 =	vld.idx.msk [tilespmem:v32+s2+$0x0], $0xffff;
	[tilespmem:v40+s12+$0x0] =	vst.idx.msk $0xffff, v33  }
0x86: {  	v47 =	vor.u32 s22, v22;
	[tilespmem:v41+s12+$0x0] =	vst.idx.msk $0xffff, v34  }
0x87: {  	v48 =	vor.u32 s22, v23;
	[tilespmem:v42+s12+$0x0] =	vst.idx.msk $0xffff, v35  }
0x88: {  	[tilespmem:v43+s12+$0x0] =	vst.idx.msk $0xffff, v36  }
0x89: {  	[tilespmem:v44+s12+$0x0] =	vst.idx.msk $0xffff, v37  }
0x8a: {  	[tilespmem:v46+s12+$0x0] =	vst.idx.msk $0xffff, v38  }
0x8b: {  	[tilespmem:v47+s12+$0x0] =	vst.idx.msk $0xffff, v39  }
0x8c: {  	[tilespmem:v48+s12+$0x0] =	vst.idx.msk $0xffff, v32  }
0x8d: {  	v32 =	vld [tilespmem:s19+$0x0];
	_ =	sdelay $0x4  }
0x8e: {  	v32 =	vshll.u32 v32, $0x5  }
0x8f: {  	v49 =	vadd.s32 v24, v32  }
0x90: {  	v50 =	vadd.s32 v25, v32;
	v33 =	vand.u32 $0xFFFFFFF8, v49  }
0x91: {  	v51 =	vadd.s32 v26, v32;
	v34 =	vand.u32 $0xFFFFFFF8, v50;
	v33 =	vor.u32 v13, v33  }
0x92: {  	v52 =	vadd.s32 v27, v32;
	v35 =	vand.u32 $0xFFFFFFF8, v51;
	v34 =	vor.u32 v0, v34  }
0x93: {  	v53 =	vadd.s32 v28, v32;
	v36 =	vand.u32 $0xFFFFFFF8, v52;
	v35 =	vor.u32 v1, v35  }
0x94: {  	v54 =	vadd.s32 v29, v32;
	v37 =	vand.u32 $0xFFFFFFF8, v53;
	v36 =	vor.u32 v2, v36  }
0x95: {  	v55 =	vadd.s32 v30, v32;
	v38 =	vand.u32 $0xFFFFFFF8, v54;
	v37 =	vor.u32 v4, v37  }
0x96: {  	s31 =	sand.u32 $0x70, s20;
	v32 =	vadd.s32 v31, v32;
	v39 =	vand.u32 $0xFFFFFFF8, v55;
	v38 =	vor.u32 v7, v38;
	v33 =	vld.idx.msk [tilespmem:v33+s2+$0x0], $0xffff  }
0x97: {  	s22 =	sor.u32 s23, s31;
	v32 =	vand.u32 $0xFFFFFFF8, v32;
	v39 =	vor.u32 v8, v39;
	v34 =	vld.idx.msk [tilespmem:v34+s2+$0x0], $0xffff  }
0x98: {  	v56 =	vor.u32 s22, v16;
	v32 =	vor.u32 v15, v32;
	v35 =	vld.idx.msk [tilespmem:v35+s2+$0x0], $0xffff  }
0x99: {  	v57 =	vor.u32 s22, v17;
	v36 =	vld.idx.msk [tilespmem:v36+s2+$0x0], $0xffff  }
0x9a: {  	v58 =	vor.u32 s22, v18;
	v37 =	vld.idx.msk [tilespmem:v37+s2+$0x0], $0xffff  }
0x9b: {  	v59 =	vor.u32 s22, v19;
	v38 =	vld.idx.msk [tilespmem:v38+s2+$0x0], $0xffff  }
0x9c: {  	v60 =	vor.u32 s22, v20;
	v39 =	vld.idx.msk [tilespmem:v39+s2+$0x0], $0xffff  }
0x9d: {  	v61 =	vor.u32 s22, v21;
	v32 =	vld.idx.msk [tilespmem:v32+s2+$0x0], $0xffff;
	[tilespmem:v56+s12+$0x0] =	vst.idx.msk $0xffff, v33  }
0x9e: {  	v62 =	vor.u32 s22, v22;
	[tilespmem:v57+s12+$0x0] =	vst.idx.msk $0xffff, v34  }
0x9f: {  	p0 =	sne.s32 s20, $0x1F0;
	v63 =	vor.u32 s22, v23;
	[tilespmem:v58+s12+$0x0] =	vst.idx.msk $0xffff, v35  }
.Ltmp5:
0xa0: {  	[tilespmem:v59+s12+$0x0] =	vst.idx.msk $0xffff, v36;
	(pc) =	sbr.rel @p0 .LBB2_7-.Ltmp5, $4  }
0xa1: {  	[tilespmem:v60+s12+$0x0] =	vst.idx.msk $0xffff, v37  }
0xa2: {  	[tilespmem:v61+s12+$0x0] =	vst.idx.msk $0xffff, v38  }
0xa3: {  	[tilespmem:v62+s12+$0x0] =	vst.idx.msk $0xffff, v39  }
0xa4: {  	s21 =	sadd.s32 $0x100, s21;
	s20 =	sadd.s32 $0x20, s20;
	s19 =	sadd.s32 $0x20, s19;
	[tilespmem:v63+s12+$0x0] =	vst.idx.msk $0xffff, v32  }
.Ltmp6:
0xa5: {  	(pc) =	sbr.rel .LBB2_9-.Ltmp6, $4  }
0xa6: {  	_ = 	snop  }
0xa7: {  	s19 =	sshll.u32 s18, $0xE  }
0xa8: {  	s19 =	sadd.s32 s19, s5  }
0xa9: {  	[hbm4b:s19+s2] =	stream.linear.scatter [tilespmem:s12], [sflag:$0x2], $0x1000, $0x38;
	[tilespmem:$0x1B848] =	vst v63  }
.LBB2_3:
0xaa: {  	s21 =	simm.s32 @!p0 $0x1;
	s20 =	sand.u32 $0x10, s20  }
0xab: {  	_ =	swait.ge @!p0 [sflag:s21], $0x1000;
	v24 =	vor.u32 s20, v3;
	v25 =	vor.u32 s20, v5  }
0xac: {  	v26 =	vor.u32 s20, v6;
	v27 =	vor.u32 s20, v9;
	v28 =	vor.u32 s20, v10;
	[sflag:s21] =	ssyncset.done @!p0 $0x0  }
0xad: {  	v29 =	vor.u32 s20, v11;
	v30 =	vor.u32 s20, v12;
	v31 =	vor.u32 s20, v14;
	s20 =	simm.s32 $0x10;
	[sflag:s21] =	ssyncadd.s32 @!p0 $0xFFFFF000;
	s21 =	simm.s32 $0x0  }
.LBB2_4:
0xae: {  	v32 =	vld [tilespmem:s19+$0xFFFFFFF0];
	_ =	sdelay $0x4  }
0xaf: {  	v32 =	vshll.u32 v32, $0x5  }
0xb0: {  	v33 =	vadd.s32 v24, v32  }
0xb1: {  	v34 =	vadd.s32 v25, v32;
	v33 =	vand.u32 $0xFFFFFFF8, v33  }
0xb2: {  	v35 =	vadd.s32 v26, v32;
	v34 =	vand.u32 $0xFFFFFFF8, v34;
	v33 =	vor.u32 v13, v33  }
0xb3: {  	v36 =	vadd.s32 v27, v32;
	v35 =	vand.u32 $0xFFFFFFF8, v35;
	v34 =	vor.u32 v0, v34  }
0xb4: {  	v37 =	vadd.s32 v28, v32;
	v36 =	vand.u32 $0xFFFFFFF8, v36;
	v35 =	vor.u32 v1, v35  }
0xb5: {  	v38 =	vadd.s32 v29, v32;
	v37 =	vand.u32 $0xFFFFFFF8, v37;
	v36 =	vor.u32 v2, v36  }
0xb6: {  	s22 =	sadd.s32 $0xFFFFFFF0, s20;
	v39 =	vadd.s32 v30, v32;
	v38 =	vand.u32 $0xFFFFFFF8, v38;
	v37 =	vor.u32 v4, v37  }
0xb7: {  	s23 =	sand.u32 $0xC00, s21;
	s22 =	sand.u32 $0x60, s22;
	v32 =	vadd.s32 v31, v32;
	v39 =	vand.u32 $0xFFFFFFF8, v39;
	v38 =	vor.u32 v7, v38;
	v33 =	vld.idx.msk [tilespmem:v33+s2+$0x0], $0xffff  }
0xb8: {  	s22 =	sor.u32 s22, s23;
	v32 =	vand.u32 $0xFFFFFFF8, v32;
	v39 =	vor.u32 v8, v39;
	v34 =	vld.idx.msk [tilespmem:v34+s2+$0x0], $0xffff  }
0xb9: {  	v40 =	vor.u32 s22, v16;
	v32 =	vor.u32 v15, v32;
	v35 =	vld.idx.msk [tilespmem:v35+s2+$0x0], $0xffff  }
0xba: {  	v41 =	vor.u32 s22, v17;
	v36 =	vld.idx.msk [tilespmem:v36+s2+$0x0], $0xffff  }
0xbb: {  	v42 =	vor.u32 s22, v18;
	v37 =	vld.idx.msk [tilespmem:v37+s2+$0x0], $0xffff  }
0xbc: {  	v43 =	vor.u32 s22, v19;
	v38 =	vld.idx.msk [tilespmem:v38+s2+$0x0], $0xffff  }
0xbd: {  	v44 =	vor.u32 s22, v20;
	v39 =	vld.idx.msk [tilespmem:v39+s2+$0x0], $0xffff  }
0xbe: {  	v46 =	vor.u32 s22, v21;
	v32 =	vld.idx.msk [tilespmem:v32+s2+$0x0], $0xffff;
	[tilespmem:v40+s15+$0x0] =	vst.idx.msk $0xffff, v33  }
0xbf: {  	v47 =	vor.u32 s22, v22;
	[tilespmem:v41+s15+$0x0] =	vst.idx.msk $0xffff, v34  }
0xc0: {  	v48 =	vor.u32 s22, v23;
	[tilespmem:v42+s15+$0x0] =	vst.idx.msk $0xffff, v35  }
0xc1: {  	[tilespmem:v43+s15+$0x0] =	vst.idx.msk $0xffff, v36  }
0xc2: {  	[tilespmem:v44+s15+$0x0] =	vst.idx.msk $0xffff, v37  }
0xc3: {  	[tilespmem:v46+s15+$0x0] =	vst.idx.msk $0xffff, v38  }
0xc4: {  	[tilespmem:v47+s15+$0x0] =	vst.idx.msk $0xffff, v39  }
0xc5: {  	[tilespmem:v48+s15+$0x0] =	vst.idx.msk $0xffff, v32  }
0xc6: {  	v32 =	vld [tilespmem:s19+$0x0];
	_ =	sdelay $0x4  }
0xc7: {  	v32 =	vshll.u32 v32, $0x5  }
0xc8: {  	v49 =	vadd.s32 v24, v32  }
0xc9: {  	v50 =	vadd.s32 v25, v32;
	v33 =	vand.u32 $0xFFFFFFF8, v49  }
0xca: {  	v51 =	vadd.s32 v26, v32;
	v34 =	vand.u32 $0xFFFFFFF8, v50;
	v33 =	vor.u32 v13, v33  }
0xcb: {  	v52 =	vadd.s32 v27, v32;
	v35 =	vand.u32 $0xFFFFFFF8, v51;
	v34 =	vor.u32 v0, v34  }
0xcc: {  	v53 =	vadd.s32 v28, v32;
	v36 =	vand.u32 $0xFFFFFFF8, v52;
	v35 =	vor.u32 v1, v35  }
0xcd: {  	v54 =	vadd.s32 v29, v32;
	v37 =	vand.u32 $0xFFFFFFF8, v53;
	v36 =	vor.u32 v2, v36  }
0xce: {  	v55 =	vadd.s32 v30, v32;
	v38 =	vand.u32 $0xFFFFFFF8, v54;
	v37 =	vor.u32 v4, v37  }
0xcf: {  	s31 =	sand.u32 $0x70, s20;
	v32 =	vadd.s32 v31, v32;
	v39 =	vand.u32 $0xFFFFFFF8, v55;
	v38 =	vor.u32 v7, v38;
	v33 =	vld.idx.msk [tilespmem:v33+s2+$0x0], $0xffff  }
0xd0: {  	s22 =	sor.u32 s23, s31;
	v32 =	vand.u32 $0xFFFFFFF8, v32;
	v39 =	vor.u32 v8, v39;
	v34 =	vld.idx.msk [tilespmem:v34+s2+$0x0], $0xffff  }
0xd1: {  	v56 =	vor.u32 s22, v16;
	v32 =	vor.u32 v15, v32;
	v35 =	vld.idx.msk [tilespmem:v35+s2+$0x0], $0xffff  }
0xd2: {  	v57 =	vor.u32 s22, v17;
	v36 =	vld.idx.msk [tilespmem:v36+s2+$0x0], $0xffff  }
0xd3: {  	v58 =	vor.u32 s22, v18;
	v37 =	vld.idx.msk [tilespmem:v37+s2+$0x0], $0xffff  }
0xd4: {  	v59 =	vor.u32 s22, v19;
	v38 =	vld.idx.msk [tilespmem:v38+s2+$0x0], $0xffff  }
0xd5: {  	v60 =	vor.u32 s22, v20;
	v39 =	vld.idx.msk [tilespmem:v39+s2+$0x0], $0xffff  }
0xd6: {  	v61 =	vor.u32 s22, v21;
	v32 =	vld.idx.msk [tilespmem:v32+s2+$0x0], $0xffff;
	[tilespmem:v56+s15+$0x0] =	vst.idx.msk $0xffff, v33  }
0xd7: {  	v62 =	vor.u32 s22, v22;
	[tilespmem:v57+s15+$0x0] =	vst.idx.msk $0xffff, v34  }
0xd8: {  	p0 =	sne.s32 s20, $0x1F0;
	v63 =	vor.u32 s22, v23;
	[tilespmem:v58+s15+$0x0] =	vst.idx.msk $0xffff, v35  }
.Ltmp7:
0xd9: {  	[tilespmem:v59+s15+$0x0] =	vst.idx.msk $0xffff, v36;
	(pc) =	sbr.rel @p0 .LBB2_4-.Ltmp7, $4  }
0xda: {  	[tilespmem:v60+s15+$0x0] =	vst.idx.msk $0xffff, v37  }
0xdb: {  	[tilespmem:v61+s15+$0x0] =	vst.idx.msk $0xffff, v38  }
0xdc: {  	[tilespmem:v62+s15+$0x0] =	vst.idx.msk $0xffff, v39  }
0xdd: {  	s21 =	sadd.s32 $0x100, s21;
	s20 =	sadd.s32 $0x20, s20;
	s19 =	sadd.s32 $0x20, s19;
	[tilespmem:v63+s15+$0x0] =	vst.idx.msk $0xffff, v32  }
.Ltmp8:
0xde: {  	_ = 	snop;
	(pc) =	sbr.rel .LBB2_5-.Ltmp8, $1  }
0xdf: {  	_ =	sdelay $0x3  }
.LBB2_11:
0xe0: {  	_ =	sfence.sel $0x180000  }
0xe1: {  	[bflag:$0x0] =	sbarrier.arrive $0xFFFF  }
0xe2: {  	p0 =	sne.s32 s1, $0x0;
	_ =	strace $0x90000047  }
0xe3: {  	s0 =	sadd.s32 @!p0 $0x100000, s0;
	[bflag:$0x2] =	sbarrier.arrive $0xFFFF  }
0xe4: {  	[sflag:s0] =	ssyncadd.tile.s32 @!p0 $0x1;
	_ =	shalt  }
.Lfunc_end2:
_tile_overlayer_lowered:
.L_overlay_start_2:
0xe5: {  	(tag) =	ssettag $0x2  }
0xe6: {  	s0 =	rddreg [dreg:$0x0];
	s2 =	stileid.u32  }
0xe7: {  	s1 =	rddreg [dreg:$0x1];
	p0 =	sne.s32 s2, $0x0  }
0xe8: {  	s3 =	rddreg [dreg:$0x2];
	[bflag:$0x3] =	sbarrier.arrive $0xFFFF;
	s2 =	simm.s32 @!p0 $0x1C03  }
0xe9: {  	[timem:s3], [sflag:s2] =	dma.local @!p0 [hbm:s0], s1  }
0xea: {  	s0 =	simm.s32 @!p0 $0x3  }
0xeb: {  	_ =	swait.ge @!p0 [sflag:s0], s1  }
0xec: {  	s1 =	ssub.s32 @!p0 $0x0, s1;
	[sflag:s0] =	ssyncset.done @!p0 $0x0  }
0xed: {  	[sflag:s0] =	ssyncadd.s32 @!p0 s1  }
0xee: {  	[bflag:$0x3] =	sbarrier.arrive $0xFFFF  }
0xef: {  	_ =	shalt  }

</sc_bundles>
